<compile_context>
chip_gen: v7x
topology: tpu7x:2x2x1
jax: 0.10.2.dev20260603
libtpu: 0.0.44.dev20260713+nightly
codegen_flags: <defaults>
</compile_context>

<pallas_src>
import functools

import jax
import jax.numpy as jnp
from jax import lax
from jax.experimental import pallas as pl
from jax.experimental.pallas import tpu as pltpu
from jax.experimental.pallas import tpu_sc as plsc

N_NODES = 10000
N_HYPEREDGES = 5000
N_INC = 320000
D = 128

NC = 2
NS = 16
NW = NC * NS
L = 16
PER_W = 10240
CHUNK = 80
NPASS = 2
NCHP = PER_W // (NPASS * CHUNK)
HPAIR = NCHP // 2

HP = 5120
NP = 10240


def _make_sc_stage(n_tab, n_out, with_counts):
    rpt = n_out // NS
    mesh = plsc.VectorSubcoreMesh(
        core_axis_name="c", subcore_axis_name="s", num_cores=NC, num_subcores=NS
    )

    out_type = [jax.ShapeDtypeStruct((NC * n_out, D), jnp.float32)]
    scratch = [
        pltpu.VMEM((NCHP, CHUNK), jnp.int32),
        pltpu.VMEM((NCHP, CHUNK), jnp.int32),
        pltpu.VMEM((CHUNK, D), jnp.float32),
        pltpu.VMEM((CHUNK, D), jnp.float32),
        pltpu.VMEM_SHARED((n_out, D), jnp.float32),
        pltpu.SemaphoreType.DMA,
        pltpu.SemaphoreType.DMA,
    ]
    if with_counts:
        out_type += [
            jax.ShapeDtypeStruct((NW, n_out), jnp.float32),
            jax.ShapeDtypeStruct((NW, n_tab), jnp.float32),
        ]
        scratch += [
            pltpu.VMEM((n_out,), jnp.float32),
            pltpu.VMEM((n_tab,), jnp.float32),
        ]

    @functools.partial(
        pl.kernel,
        out_type=tuple(out_type) if with_counts else out_type[0],
        mesh=mesh,
        scratch_types=scratch,
        compiler_params=pltpu.CompilerParams(needs_layout_passes=False),
    )
    def sc_kernel(table, gidx4, sidx4, zrow, zcs, zcg, *rest):
        if with_counts:
            (out_sum, out_cs, out_cg,
             gv, sv, rows_a, rows_b, acc_sh, sem_a, sem_b, cs_v, cg_v) = rest
        else:
            out_sum, gv, sv, rows_a, rows_b, acc_sh, sem_a, sem_b = rest
        cid = lax.axis_index("c")
        sid = lax.axis_index("s")
        wid = sid * NC + cid

        if with_counts:
            pltpu.sync_copy(zcs, cs_v)
            pltpu.sync_copy(zcg, cg_v)
        pltpu.sync_copy(zrow, acc_sh.at[pl.ds(sid * rpt, rpt)])
        plsc.subcore_barrier()

        ones16 = jnp.ones((L,), jnp.float32)

        def counts(j):
            if with_counts:
                for k in range(CHUNK // L):
                    plsc.addupdate_scatter(
                        cs_v, [sv[j, pl.ds(k * L, L)]], ones16)
                    plsc.addupdate_scatter(
                        cg_v, [gv[j, pl.ds(k * L, L)]], ones16)

        def body(g, carry):
            j0 = 2 * g
            j1 = 2 * g + 1
            pltpu.make_async_copy(table.at[gv.at[j0]], rows_a, sem_a).wait()
            pltpu.async_copy(table.at[gv.at[j1]], rows_b, sem_b)
            pltpu.sync_copy(rows_a, acc_sh.at[sv.at[j0]], add=True)
            counts(j0)
            pltpu.make_async_copy(table.at[gv.at[j1]], rows_b, sem_b).wait()

            @pl.when(g + 1 < HPAIR)
            def _():
                pltpu.async_copy(table.at[gv.at[j0 + 2]], rows_a, sem_a)

            pltpu.sync_copy(rows_b, acc_sh.at[sv.at[j1]], add=True)
            counts(j1)
            return carry

        for p in range(NPASS):
            pltpu.sync_copy(gidx4.at[wid, p], gv)
            pltpu.sync_copy(sidx4.at[wid, p], sv)
            pltpu.async_copy(table.at[gv.at[0]], rows_a, sem_a)
            lax.fori_loop(0, HPAIR, body, 0)
        plsc.subcore_barrier()

        base = cid * n_out + sid * rpt
        pltpu.sync_copy(acc_sh.at[pl.ds(sid * rpt, rpt)],
                        out_sum.at[pl.ds(base, rpt)])
        if with_counts:
            pltpu.sync_copy(cs_v, out_cs.at[wid])
            pltpu.sync_copy(cg_v, out_cg.at[wid])

    return sc_kernel


_sc_stage1 = _make_sc_stage(NP, HP, True)
_sc_stage2 = _make_sc_stage(HP, NP, False)


def _tc1_body(s0, s1, c, w, b, o):
    cnt = jnp.sum(c[...], axis=0)[:, None]
    m = (s0[...] + s1[...]) / jnp.maximum(cnt, 1.0)
    y = jnp.dot(m, w[...], preferred_element_type=jnp.float32) + b[...]
    o[...] = jnp.maximum(y, 0.0)


def _tc2_body(s0, s1, c, nf, w, b, g, be, o):
    cnt = jnp.sum(c[...], axis=0)[:, None]
    m = (s0[...] + s1[...]) / jnp.maximum(cnt, 1.0)
    x = jnp.dot(m, w[...], preferred_element_type=jnp.float32) + b[...] + nf[...]
    mu = jnp.mean(x, axis=-1, keepdims=True)
    var = jnp.mean((x - mu) ** 2, axis=-1, keepdims=True)
    x = (x - mu) * lax.rsqrt(var + 1e-5) * g[...] + be[...]
    o[...] = jnp.maximum(x, 0.0)


def _tc_stage1(parts, cnts, wT, b):
    B = 640
    nb = HP // B
    return pl.pallas_call(
        _tc1_body,
        grid=(nb,),
        in_specs=[
            pl.BlockSpec((B, D), lambda i: (i, 0)),
            pl.BlockSpec((B, D), lambda i: (i + nb, 0)),
            pl.BlockSpec((NW, B), lambda i: (0, i)),
            pl.BlockSpec((D, D), lambda i: (0, 0)),
            pl.BlockSpec((1, D), lambda i: (0, 0)),
        ],
        out_specs=pl.BlockSpec((B, D), lambda i: (i, 0)),
        out_shape=jax.ShapeDtypeStruct((HP, D), jnp.float32),
    )(parts, parts, cnts, wT, b)


def _tc_stage2(parts, cnts, nf_pad, wT, b, g, be):
    B = 640
    nb = NP // B
    return pl.pallas_call(
        _tc2_body,
        grid=(nb,),
        in_specs=[
            pl.BlockSpec((B, D), lambda i: (i, 0)),
            pl.BlockSpec((B, D), lambda i: (i + nb, 0)),
            pl.BlockSpec((NW, B), lambda i: (0, i)),
            pl.BlockSpec((B, D), lambda i: (i, 0)),
            pl.BlockSpec((D, D), lambda i: (0, 0)),
            pl.BlockSpec((1, D), lambda i: (0, 0)),
            pl.BlockSpec((1, D), lambda i: (0, 0)),
            pl.BlockSpec((1, D), lambda i: (0, 0)),
        ],
        out_specs=pl.BlockSpec((B, D), lambda i: (i, 0)),
        out_shape=jax.ShapeDtypeStruct((NP, D), jnp.float32),
    )(parts, parts, cnts, nf_pad, wT, b, g, be)


def kernel(node_features, node_idx, hedge_idx, W_he, b_he, W_node, b_node,
           ln_gamma, ln_beta):
    pad = PER_W - N_INC // NW
    nidx = node_idx.astype(jnp.int32).reshape(NW, N_INC // NW)
    nidx = jnp.pad(nidx, ((0, 0), (0, pad)), constant_values=NP - 1)
    nidx = nidx.reshape(NW, NPASS, NCHP, CHUNK)
    hidx = hedge_idx.astype(jnp.int32).reshape(NW, N_INC // NW)
    hidx = jnp.pad(hidx, ((0, 0), (0, pad)), constant_values=HP - 1)
    hidx = hidx.reshape(NW, NPASS, NCHP, CHUNK)

    nf_pad = jnp.pad(node_features, ((0, NP - N_NODES), (0, 0)))

    z1r = jnp.zeros((HP // NS, D), jnp.float32)
    zcs = jnp.zeros((HP,), jnp.float32)
    zcg = jnp.zeros((NP,), jnp.float32)
    he_sum, he_cnt, nd_cnt = _sc_stage1(nf_pad, nidx, hidx, z1r, zcs, zcg)
    he_feat = _tc_stage1(he_sum, he_cnt, W_he.T, b_he.reshape(1, D))

    z2r = jnp.zeros((NP // NS, D), jnp.float32)
    nd_sum = _sc_stage2(he_feat, hidx, nidx, z2r, zcs, zcg)

    out = _tc_stage2(nd_sum, nd_cnt, nf_pad, W_node.T, b_node.reshape(1, D),
                     ln_gamma.reshape(1, D), ln_beta.reshape(1, D))
    return out[:N_NODES]

# --- scband reference (transcript-rebuilt; emitter-appended) ---
"""Pipeline reference for scband-hypergraph-convolution-13975823581873 (READ-ONLY COPY).

The authoritative reference and input builder live on the scoring server;
editing this copy changes nothing except your own understanding.
"""

import jax, jax.numpy as jnp
import numpy as np

N_NODES = 10000
N_HYPEREDGES = 5000
N_INC = 320000
D = 128


def setup_inputs(seed: int = 0) -> dict:
    key = jax.random.key(seed)
    k1, k2, k3, k4, k5, k6, k7 = jax.random.split(key, 7)
    node_features = jax.random.normal(k1, (N_NODES, D), dtype=jnp.float32)
    node_idx = jax.random.randint(k2, (N_INC,), 0, N_NODES, dtype=jnp.int64) if jax.config.jax_enable_x64 else jax.random.randint(k2, (N_INC,), 0, N_NODES).astype(jnp.int32)
    hedge_idx = jax.random.randint(k3, (N_INC,), 0, N_HYPEREDGES).astype(node_idx.dtype)
    # learned params: hyperedge_transform Linear(D, D), node_transform Linear(D, D), LayerNorm(D)
    lim = 1.0 / np.sqrt(D)
    W_he = jax.random.uniform(k4, (D, D), minval=-lim, maxval=lim, dtype=jnp.float32)
    b_he = jnp.zeros((D,), dtype=jnp.float32)
    W_node = jax.random.uniform(k5, (D, D), minval=-lim, maxval=lim, dtype=jnp.float32)
    b_node = jnp.zeros((D,), dtype=jnp.float32)
    ln_gamma = jnp.ones((D,), dtype=jnp.float32)
    ln_beta = jnp.zeros((D,), dtype=jnp.float32)
    return {
        'node_features': node_features,
        'node_idx': node_idx,
        'hedge_idx': hedge_idx,
        'W_he': W_he,
        'b_he': b_he,
        'W_node': W_node,
        'b_node': b_node,
        'ln_gamma': ln_gamma,
        'ln_beta': ln_beta,
    }


def _segment_mean(vals, seg_ids, num_segments):
    s = jax.ops.segment_sum(vals, seg_ids, num_segments=num_segments)
    cnt = jax.ops.segment_sum(jnp.ones((vals.shape[0], 1), dtype=vals.dtype), seg_ids, num_segments=num_segments)
    return s / jnp.maximum(cnt, 1.0)


def reference(node_features, node_idx, hedge_idx, W_he, b_he, W_node, b_node, ln_gamma, ln_beta):
    # Stage 1: node -> hyperedge (mean aggregation over 'in' edges)
    msgs = node_features[node_idx]
    he_feat = _segment_mean(msgs, hedge_idx, N_HYPEREDGES)
    # hyperedge transform + relu (dropout = 0.0, identity)
    he_feat = he_feat @ W_he.T + b_he
    he_feat = jnp.maximum(he_feat, 0.0)
    # Stage 2: hyperedge -> node (mean aggregation over 'contain' edges)
    msgs2 = he_feat[hedge_idx]
    new_node = _segment_mean(msgs2, node_idx, N_NODES)
    # node transform + residual + layernorm + relu
    new_node = new_node @ W_node.T + b_node
    new_node = new_node + node_features
    mu = jnp.mean(new_node, axis=-1, keepdims=True)
    var = jnp.mean((new_node - mu) ** 2, axis=-1, keepdims=True)
    new_node = (new_node - mu) / jnp.sqrt(var + 1e-5)
    new_node = new_node * ln_gamma + ln_beta
    new_node = jnp.maximum(new_node, 0.0)
    return new_node

if __name__ == "__main__":
    import jax
    _d = setup_inputs()
    print(jax.jit(kernel)(*tuple(_d.values())))

</pallas_src>

<mosaic_0001>
#map = affine_map<(d0, d1) -> (0, 0)>
#map1 = affine_map<(d0, d1) -> (0, 0, 0, 0)>
#map2 = affine_map<(d0, d1) -> (0)>
module attributes {stable_mosaic.version = 14 : i64} {
  func.func @sc_kernel(%arg0: i32, %arg1: i32, %arg2: memref<10240x128xf32, #tpu.memory_space<hbm>>, %arg3: memref<32x2x64x80xi32, #tpu.memory_space<hbm>>, %arg4: memref<32x2x64x80xi32, #tpu.memory_space<hbm>>, %arg5: memref<320x128xf32, #tpu.memory_space<hbm>>, %arg6: memref<5120xf32, #tpu.memory_space<hbm>>, %arg7: memref<10240xf32, #tpu.memory_space<hbm>>, %arg8: memref<10240x128xf32, #tpu.memory_space<hbm>>, %arg9: memref<32x5120xf32, #tpu.memory_space<hbm>>, %arg10: memref<32x10240xf32, #tpu.memory_space<hbm>>, %arg11: memref<64x80xi32, #tpu.memory_space<vmem>>, %arg12: memref<64x80xi32, #tpu.memory_space<vmem>>, %arg13: memref<80x128xf32, #tpu.memory_space<vmem>>, %arg14: memref<80x128xf32, #tpu.memory_space<vmem>>, %arg15: memref<5120x128xf32, #tpu.memory_space<vmem_shared>>, %arg16: memref<!tpu.dma_semaphore, #tpu.memory_space<semaphore_mem>>, %arg17: memref<!tpu.dma_semaphore, #tpu.memory_space<semaphore_mem>>, %arg18: memref<5120xf32, #tpu.memory_space<vmem>>, %arg19: memref<10240xf32, #tpu.memory_space<vmem>>) attributes {dimension_semantics = [#tpu.dimension_semantics<core_parallel>, #tpu.dimension_semantics<subcore_parallel>], iteration_bounds = array<i64: 2, 16>, scalar_prefetch = 0 : i64, scratch_operands = 9 : i64, tpu.core_type = #tpu.core_type<sc_vector_subcore>, window_params = [{transform_indices = #map}, {transform_indices = #map1}, {transform_indices = #map1}, {transform_indices = #map}, {transform_indices = #map2}, {transform_indices = #map2}, {transform_indices = #map}, {transform_indices = #map}, {transform_indices = #map}]} {
    %mul3A = arith.constant 2 : i32
    %mul3A_0 = arith.muli %arg1, %mul3A : i32
    %add3A = arith.addi %mul3A_0, %arg0 : i32
    "tpu.region"() ({
      %run_scoped3A_39 = tpu.sem_alloc : memref<!tpu.dma_semaphore, #tpu.memory_space<semaphore_mem>>
      tpu.enqueue_dma source(%arg6 : memref<5120xf32, #tpu.memory_space<hbm>>) target(%arg18 : memref<5120xf32, #tpu.memory_space<vmem>>) target_semaphore(%run_scoped3A_39 : memref<!tpu.dma_semaphore, #tpu.memory_space<semaphore_mem>>)
      tpu.wait_dma2 semaphore(%run_scoped3A_39 : memref<!tpu.dma_semaphore, #tpu.memory_space<semaphore_mem>>) src(%arg6 : memref<5120xf32, #tpu.memory_space<hbm>>) dst(%arg18 : memref<5120xf32, #tpu.memory_space<vmem>>)
      tpu.yield
    }) : () -> ()
    "tpu.region"() ({
      %run_scoped3A_39 = tpu.sem_alloc : memref<!tpu.dma_semaphore, #tpu.memory_space<semaphore_mem>>
      tpu.enqueue_dma source(%arg7 : memref<10240xf32, #tpu.memory_space<hbm>>) target(%arg19 : memref<10240xf32, #tpu.memory_space<vmem>>) target_semaphore(%run_scoped3A_39 : memref<!tpu.dma_semaphore, #tpu.memory_space<semaphore_mem>>)
      tpu.wait_dma2 semaphore(%run_scoped3A_39 : memref<!tpu.dma_semaphore, #tpu.memory_space<semaphore_mem>>) src(%arg7 : memref<10240xf32, #tpu.memory_space<hbm>>) dst(%arg19 : memref<10240xf32, #tpu.memory_space<vmem>>)
      tpu.yield
    }) : () -> ()
    %mul3A_1 = arith.constant 320 : i32
    %mul3A_2 = arith.muli %arg1, %mul3A_1 : i32
    "tpu.region"() ({
      %run_scoped3A_39 = tpu.sem_alloc : memref<!tpu.dma_semaphore, #tpu.memory_space<semaphore_mem>>
      %dma_start3A_40 = arith.constant 0 : i32
      %dma_start3A_41 = tpu.memref_slice %arg15[%mul3A_2, %dma_start3A_40] : memref<5120x128xf32, #tpu.memory_space<vmem_shared>> -> memref<320x128xf32, #tpu.memory_space<vmem_shared>>
      tpu.enqueue_dma source(%arg5 : memref<320x128xf32, #tpu.memory_space<hbm>>) target(%dma_start3A_41 : memref<320x128xf32, #tpu.memory_space<vmem_shared>>) target_semaphore(%run_scoped3A_39 : memref<!tpu.dma_semaphore, #tpu.memory_space<semaphore_mem>>)
      %dma_wait3A = arith.constant 0 : i32
      %dma_wait3A_42 = tpu.memref_slice %arg15[%mul3A_2, %dma_wait3A] : memref<5120x128xf32, #tpu.memory_space<vmem_shared>> -> memref<320x128xf32, #tpu.memory_space<vmem_shared>>
      tpu.wait_dma2 semaphore(%run_scoped3A_39 : memref<!tpu.dma_semaphore, #tpu.memory_space<semaphore_mem>>) src(%arg5 : memref<320x128xf32, #tpu.memory_space<hbm>>) dst(%dma_wait3A_42 : memref<320x128xf32, #tpu.memory_space<vmem_shared>>)
      tpu.yield
    }) : () -> ()
    %barrier3A = arith.constant 0 : index
    tpu.barrier barrier_id(%barrier3A)
    %broadcast_in_dim3A = arith.constant 1.000000e+00 : f32
    %broadcast_in_dim3A_3 = vector.broadcast %broadcast_in_dim3A : f32 to vector<16xf32>
    %run_scoped3A = arith.constant 0 : i32
    "tpu.region"() ({
      %run_scoped3A_39 = tpu.sem_alloc : memref<!tpu.dma_semaphore, #tpu.memory_space<semaphore_mem>>
      %dma_start3A_40 = arith.constant 0 : i32
      %dma_start3A_41 = arith.constant 0 : i32
      %dma_start3A_42 = tpu.memref_slice %arg3[%add3A, %run_scoped3A, %dma_start3A_40, %dma_start3A_41] : memref<32x2x64x80xi32, #tpu.memory_space<hbm>> -> memref<1x1x64x80xi32, #tpu.memory_space<hbm>>
      %dma_start3A_43 = tpu.memref_squeeze %dma_start3A_42 : memref<1x1x64x80xi32, #tpu.memory_space<hbm>> -> memref<64x80xi32, #tpu.memory_space<hbm>>
      %dma_start3A_44 = arith.constant 0 : i32
      %dma_start3A_45 = arith.constant 0 : i32
      %dma_start3A_46 = tpu.memref_slice %arg3[%add3A, %run_scoped3A, %dma_start3A_44, %dma_start3A_45] : memref<32x2x64x80xi32, #tpu.memory_space<hbm>> -> memref<1x1x64x80xi32, #tpu.memory_space<hbm>>
      %dma_start3A_47 = tpu.memref_squeeze %dma_start3A_46 : memref<1x1x64x80xi32, #tpu.memory_space<hbm>> -> memref<64x80xi32, #tpu.memory_space<hbm>>
      tpu.enqueue_dma source(%dma_start3A_47 : memref<64x80xi32, #tpu.memory_space<hbm>>) target(%arg11 : memref<64x80xi32, #tpu.memory_space<vmem>>) target_semaphore(%run_scoped3A_39 : memref<!tpu.dma_semaphore, #tpu.memory_space<semaphore_mem>>)
      %dma_wait3A = arith.constant 0 : i32
      %dma_wait3A_48 = arith.constant 0 : i32
      %dma_wait3A_49 = tpu.memref_slice %arg3[%add3A, %run_scoped3A, %dma_wait3A, %dma_wait3A_48] : memref<32x2x64x80xi32, #tpu.memory_space<hbm>> -> memref<1x1x64x80xi32, #tpu.memory_space<hbm>>
      %dma_wait3A_50 = tpu.memref_squeeze %dma_wait3A_49 : memref<1x1x64x80xi32, #tpu.memory_space<hbm>> -> memref<64x80xi32, #tpu.memory_space<hbm>>
      %dma_wait3A_51 = arith.constant 0 : i32
      %dma_wait3A_52 = arith.constant 0 : i32
      %dma_wait3A_53 = tpu.memref_slice %arg3[%add3A, %run_scoped3A, %dma_wait3A_51, %dma_wait3A_52] : memref<32x2x64x80xi32, #tpu.memory_space<hbm>> -> memref<1x1x64x80xi32, #tpu.memory_space<hbm>>
      %dma_wait3A_54 = tpu.memref_squeeze %dma_wait3A_53 : memref<1x1x64x80xi32, #tpu.memory_space<hbm>> -> memref<64x80xi32, #tpu.memory_space<hbm>>
      tpu.wait_dma2 semaphore(%run_scoped3A_39 : memref<!tpu.dma_semaphore, #tpu.memory_space<semaphore_mem>>) src(%dma_wait3A_54 : memref<64x80xi32, #tpu.memory_space<hbm>>) dst(%arg11 : memref<64x80xi32, #tpu.memory_space<vmem>>)
      tpu.yield
    }) : () -> ()
    %run_scoped3A_4 = arith.constant 0 : i32
    "tpu.region"() ({
      %run_scoped3A_39 = tpu.sem_alloc : memref<!tpu.dma_semaphore, #tpu.memory_space<semaphore_mem>>
      %dma_start3A_40 = arith.constant 0 : i32
      %dma_start3A_41 = arith.constant 0 : i32
      %dma_start3A_42 = tpu.memref_slice %arg4[%add3A, %run_scoped3A_4, %dma_start3A_40, %dma_start3A_41] : memref<32x2x64x80xi32, #tpu.memory_space<hbm>> -> memref<1x1x64x80xi32, #tpu.memory_space<hbm>>
      %dma_start3A_43 = tpu.memref_squeeze %dma_start3A_42 : memref<1x1x64x80xi32, #tpu.memory_space<hbm>> -> memref<64x80xi32, #tpu.memory_space<hbm>>
      %dma_start3A_44 = arith.constant 0 : i32
      %dma_start3A_45 = arith.constant 0 : i32
      %dma_start3A_46 = tpu.memref_slice %arg4[%add3A, %run_scoped3A_4, %dma_start3A_44, %dma_start3A_45] : memref<32x2x64x80xi32, #tpu.memory_space<hbm>> -> memref<1x1x64x80xi32, #tpu.memory_space<hbm>>
      %dma_start3A_47 = tpu.memref_squeeze %dma_start3A_46 : memref<1x1x64x80xi32, #tpu.memory_space<hbm>> -> memref<64x80xi32, #tpu.memory_space<hbm>>
      tpu.enqueue_dma source(%dma_start3A_47 : memref<64x80xi32, #tpu.memory_space<hbm>>) target(%arg12 : memref<64x80xi32, #tpu.memory_space<vmem>>) target_semaphore(%run_scoped3A_39 : memref<!tpu.dma_semaphore, #tpu.memory_space<semaphore_mem>>)
      %dma_wait3A = arith.constant 0 : i32
      %dma_wait3A_48 = arith.constant 0 : i32
      %dma_wait3A_49 = tpu.memref_slice %arg4[%add3A, %run_scoped3A_4, %dma_wait3A, %dma_wait3A_48] : memref<32x2x64x80xi32, #tpu.memory_space<hbm>> -> memref<1x1x64x80xi32, #tpu.memory_space<hbm>>
      %dma_wait3A_50 = tpu.memref_squeeze %dma_wait3A_49 : memref<1x1x64x80xi32, #tpu.memory_space<hbm>> -> memref<64x80xi32, #tpu.memory_space<hbm>>
      %dma_wait3A_51 = arith.constant 0 : i32
      %dma_wait3A_52 = arith.constant 0 : i32
      %dma_wait3A_53 = tpu.memref_slice %arg4[%add3A, %run_scoped3A_4, %dma_wait3A_51, %dma_wait3A_52] : memref<32x2x64x80xi32, #tpu.memory_space<hbm>> -> memref<1x1x64x80xi32, #tpu.memory_space<hbm>>
      %dma_wait3A_54 = tpu.memref_squeeze %dma_wait3A_53 : memref<1x1x64x80xi32, #tpu.memory_space<hbm>> -> memref<64x80xi32, #tpu.memory_space<hbm>>
      tpu.wait_dma2 semaphore(%run_scoped3A_39 : memref<!tpu.dma_semaphore, #tpu.memory_space<semaphore_mem>>) src(%dma_wait3A_54 : memref<64x80xi32, #tpu.memory_space<hbm>>) dst(%arg12 : memref<64x80xi32, #tpu.memory_space<vmem>>)
      tpu.yield
    }) : () -> ()
    %dma_start3A = arith.constant 0 : i32
    %dma_start3A_5 = arith.constant 0 : i32
    %dma_start3A_6 = tpu.memref_slice %arg11[%dma_start3A, %dma_start3A_5] : memref<64x80xi32, #tpu.memory_space<vmem>> -> memref<1x80xi32, #tpu.memory_space<vmem>>
    %dma_start3A_7 = tpu.memref_squeeze %dma_start3A_6 : memref<1x80xi32, #tpu.memory_space<vmem>> -> memref<80xi32, #tpu.memory_space<vmem>>
    %dma_start3A_8 = arith.constant 0 : i32
    %dma_start3A_9 = arith.constant 0 : i32
    %dma_start3A_10 = tpu.memref_slice %arg2[%dma_start3A_8, %dma_start3A_9] : memref<10240x128xf32, #tpu.memory_space<hbm>> -> memref<10240x128xf32, #tpu.memory_space<hbm>>
    tpu.enqueue_indirect_dma source(%dma_start3A_10 : memref<10240x128xf32, #tpu.memory_space<hbm>>) target(%arg13 : memref<80x128xf32, #tpu.memory_space<vmem>>) offsets(%dma_start3A_7 : memref<80xi32, #tpu.memory_space<vmem>>) semaphore(%arg16 : memref<!tpu.dma_semaphore, #tpu.memory_space<semaphore_mem>>)
    %scan3A = arith.constant 0 : i32
    %scan3A_11 = arith.constant 0 : i32
    %scan3A_12 = arith.constant 32 : i32
    %scan3A_13 = arith.addi %scan3A_11, %scan3A_12 : i32
    %scan3A_14 = arith.constant 1 : i32
    scf.for %scan3A_39 = %scan3A_11 to %scan3A_13 step %scan3A_14  : i32 {
      %mul3A_40 = arith.constant 2 : i32
      %mul3A_41 = arith.muli %mul3A_40, %scan3A_39 : i32
      %mul3A_42 = arith.constant 2 : i32
      %mul3A_43 = arith.muli %mul3A_42, %scan3A_39 : i32
      %add3A_44 = arith.constant 1 : i32
      %add3A_45 = arith.addi %mul3A_43, %add3A_44 : i32
      %dma_wait3A = arith.constant 0 : i32
      %dma_wait3A_46 = tpu.memref_slice %arg11[%mul3A_41, %dma_wait3A] : memref<64x80xi32, #tpu.memory_space<vmem>> -> memref<1x80xi32, #tpu.memory_space<vmem>>
      %dma_wait3A_47 = tpu.memref_squeeze %dma_wait3A_46 : memref<1x80xi32, #tpu.memory_space<vmem>> -> memref<80xi32, #tpu.memory_space<vmem>>
      %dma_wait3A_48 = arith.constant 0 : i32
      %dma_wait3A_49 = arith.constant 0 : i32
      %dma_wait3A_50 = tpu.memref_slice %arg2[%dma_wait3A_48, %dma_wait3A_49] : memref<10240x128xf32, #tpu.memory_space<hbm>> -> memref<10240x128xf32, #tpu.memory_space<hbm>>
      tpu.wait_indirect_dma semaphore(%arg16 : memref<!tpu.dma_semaphore, #tpu.memory_space<semaphore_mem>>) src(%dma_wait3A_50 : memref<10240x128xf32, #tpu.memory_space<hbm>>) dst(%arg13 : memref<80x128xf32, #tpu.memory_space<vmem>>)
      %dma_start3A_51 = arith.constant 0 : i32
      %dma_start3A_52 = tpu.memref_slice %arg11[%add3A_45, %dma_start3A_51] : memref<64x80xi32, #tpu.memory_space<vmem>> -> memref<1x80xi32, #tpu.memory_space<vmem>>
      %dma_start3A_53 = tpu.memref_squeeze %dma_start3A_52 : memref<1x80xi32, #tpu.memory_space<vmem>> -> memref<80xi32, #tpu.memory_space<vmem>>
      %dma_start3A_54 = arith.constant 0 : i32
      %dma_start3A_55 = arith.constant 0 : i32
      %dma_start3A_56 = tpu.memref_slice %arg2[%dma_start3A_54, %dma_start3A_55] : memref<10240x128xf32, #tpu.memory_space<hbm>> -> memref<10240x128xf32, #tpu.memory_space<hbm>>
      tpu.enqueue_indirect_dma source(%dma_start3A_56 : memref<10240x128xf32, #tpu.memory_space<hbm>>) target(%arg14 : memref<80x128xf32, #tpu.memory_space<vmem>>) offsets(%dma_start3A_53 : memref<80xi32, #tpu.memory_space<vmem>>) semaphore(%arg17 : memref<!tpu.dma_semaphore, #tpu.memory_space<semaphore_mem>>)
      "tpu.region"() ({
        %run_scoped3A_126 = tpu.sem_alloc : memref<!tpu.dma_semaphore, #tpu.memory_space<semaphore_mem>>
        %dma_start3A_127 = arith.constant 0 : i32
        %dma_start3A_128 = tpu.memref_slice %arg12[%mul3A_41, %dma_start3A_127] : memref<64x80xi32, #tpu.memory_space<vmem>> -> memref<1x80xi32, #tpu.memory_space<vmem>>
        %dma_start3A_129 = tpu.memref_squeeze %dma_start3A_128 : memref<1x80xi32, #tpu.memory_space<vmem>> -> memref<80xi32, #tpu.memory_space<vmem>>
        %dma_start3A_130 = arith.constant 0 : i32
        %dma_start3A_131 = arith.constant 0 : i32
        %dma_start3A_132 = tpu.memref_slice %arg15[%dma_start3A_130, %dma_start3A_131] : memref<5120x128xf32, #tpu.memory_space<vmem_shared>> -> memref<5120x128xf32, #tpu.memory_space<vmem_shared>>
        tpu.enqueue_indirect_dma source(%arg13 : memref<80x128xf32, #tpu.memory_space<vmem>>) target(%dma_start3A_132 : memref<5120x128xf32, #tpu.memory_space<vmem_shared>>) offsets(%dma_start3A_129 : memref<80xi32, #tpu.memory_space<vmem>>) semaphore(%run_scoped3A_126 : memref<!tpu.dma_semaphore, #tpu.memory_space<semaphore_mem>>) {add = true}
        %dma_wait3A_133 = arith.constant 0 : i32
        %dma_wait3A_134 = tpu.memref_slice %arg12[%mul3A_41, %dma_wait3A_133] : memref<64x80xi32, #tpu.memory_space<vmem>> -> memref<1x80xi32, #tpu.memory_space<vmem>>
        %dma_wait3A_135 = tpu.memref_squeeze %dma_wait3A_134 : memref<1x80xi32, #tpu.memory_space<vmem>> -> memref<80xi32, #tpu.memory_space<vmem>>
        %dma_wait3A_136 = arith.constant 0 : i32
        %dma_wait3A_137 = arith.constant 0 : i32
        %dma_wait3A_138 = tpu.memref_slice %arg15[%dma_wait3A_136, %dma_wait3A_137] : memref<5120x128xf32, #tpu.memory_space<vmem_shared>> -> memref<5120x128xf32, #tpu.memory_space<vmem_shared>>
        tpu.wait_indirect_dma semaphore(%run_scoped3A_126 : memref<!tpu.dma_semaphore, #tpu.memory_space<semaphore_mem>>) src(%arg13 : memref<80x128xf32, #tpu.memory_space<vmem>>) dst(%dma_wait3A_138 : memref<5120x128xf32, #tpu.memory_space<vmem_shared>>)
        tpu.yield
      }) : () -> ()
      %get3A = arith.index_cast %mul3A_41 : i32 to index
      %get3A_57 = arith.constant 0 : index
      %get3A_58 = tpu.vector_load %arg12[%get3A, %get3A_57] {strides = array<i32>} : memref<64x80xi32, #tpu.memory_space<vmem>>, vector<16xi32>,
      tpu.vector_store_idx %arg18[%get3A_58], %broadcast_in_dim3A_3 {add = true} : memref<5120xf32, #tpu.memory_space<vmem>>[vector<16xi32>], vector<16xf32>,
      %get3A_59 = arith.index_cast %mul3A_41 : i32 to index
      %get3A_60 = arith.constant 0 : index
      %get3A_61 = tpu.vector_load %arg11[%get3A_59, %get3A_60] {strides = array<i32>} : memref<64x80xi32, #tpu.memory_space<vmem>>, vector<16xi32>,
      tpu.vector_store_idx %arg19[%get3A_61], %broadcast_in_dim3A_3 {add = true} : memref<10240xf32, #tpu.memory_space<vmem>>[vector<16xi32>], vector<16xf32>,
      %get3A_62 = arith.index_cast %mul3A_41 : i32 to index
      %get3A_63 = arith.constant 16 : index
      %get3A_64 = tpu.vector_load %arg12[%get3A_62, %get3A_63] {strides = array<i32>} : memref<64x80xi32, #tpu.memory_space<vmem>>, vector<16xi32>,
      tpu.vector_store_idx %arg18[%get3A_64], %broadcast_in_dim3A_3 {add = true} : memref<5120xf32, #tpu.memory_space<vmem>>[vector<16xi32>], vector<16xf32>,
      %get3A_65 = arith.index_cast %mul3A_41 : i32 to index
      %get3A_66 = arith.constant 16 : index
      %get3A_67 = tpu.vector_load %arg11[%get3A_65, %get3A_66] {strides = array<i32>} : memref<64x80xi32, #tpu.memory_space<vmem>>, vector<16xi32>,
      tpu.vector_store_idx %arg19[%get3A_67], %broadcast_in_dim3A_3 {add = true} : memref<10240xf32, #tpu.memory_space<vmem>>[vector<16xi32>], vector<16xf32>,
      %get3A_68 = arith.index_cast %mul3A_41 : i32 to index
      %get3A_69 = arith.constant 32 : index
      %get3A_70 = tpu.vector_load %arg12[%get3A_68, %get3A_69] {strides = array<i32>} : memref<64x80xi32, #tpu.memory_space<vmem>>, vector<16xi32>,
      tpu.vector_store_idx %arg18[%get3A_70], %broadcast_in_dim3A_3 {add = true} : memref<5120xf32, #tpu.memory_space<vmem>>[vector<16xi32>], vector<16xf32>,
      %get3A_71 = arith.index_cast %mul3A_41 : i32 to index
      %get3A_72 = arith.constant 32 : index
      %get3A_73 = tpu.vector_load %arg11[%get3A_71, %get3A_72] {strides = array<i32>} : memref<64x80xi32, #tpu.memory_space<vmem>>, vector<16xi32>,
      tpu.vector_store_idx %arg19[%get3A_73], %broadcast_in_dim3A_3 {add = true} : memref<10240xf32, #tpu.memory_space<vmem>>[vector<16xi32>], vector<16xf32>,
      %get3A_74 = arith.index_cast %mul3A_41 : i32 to index
      %get3A_75 = arith.constant 48 : index
      %get3A_76 = tpu.vector_load %arg12[%get3A_74, %get3A_75] {strides = array<i32>} : memref<64x80xi32, #tpu.memory_space<vmem>>, vector<16xi32>,
      tpu.vector_store_idx %arg18[%get3A_76], %broadcast_in_dim3A_3 {add = true} : memref<5120xf32, #tpu.memory_space<vmem>>[vector<16xi32>], vector<16xf32>,
      %get3A_77 = arith.index_cast %mul3A_41 : i32 to index
      %get3A_78 = arith.constant 48 : index
      %get3A_79 = tpu.vector_load %arg11[%get3A_77, %get3A_78] {strides = array<i32>} : memref<64x80xi32, #tpu.memory_space<vmem>>, vector<16xi32>,
      tpu.vector_store_idx %arg19[%get3A_79], %broadcast_in_dim3A_3 {add = true} : memref<10240xf32, #tpu.memory_space<vmem>>[vector<16xi32>], vector<16xf32>,
      %get3A_80 = arith.index_cast %mul3A_41 : i32 to index
      %get3A_81 = arith.constant 64 : index
      %get3A_82 = tpu.vector_load %arg12[%get3A_80, %get3A_81] {strides = array<i32>} : memref<64x80xi32, #tpu.memory_space<vmem>>, vector<16xi32>,
      tpu.vector_store_idx %arg18[%get3A_82], %broadcast_in_dim3A_3 {add = true} : memref<5120xf32, #tpu.memory_space<vmem>>[vector<16xi32>], vector<16xf32>,
      %get3A_83 = arith.index_cast %mul3A_41 : i32 to index
      %get3A_84 = arith.constant 64 : index
      %get3A_85 = tpu.vector_load %arg11[%get3A_83, %get3A_84] {strides = array<i32>} : memref<64x80xi32, #tpu.memory_space<vmem>>, vector<16xi32>,
      tpu.vector_store_idx %arg19[%get3A_85], %broadcast_in_dim3A_3 {add = true} : memref<10240xf32, #tpu.memory_space<vmem>>[vector<16xi32>], vector<16xf32>,
      %dma_wait3A_86 = arith.constant 0 : i32
      %dma_wait3A_87 = tpu.memref_slice %arg11[%add3A_45, %dma_wait3A_86] : memref<64x80xi32, #tpu.memory_space<vmem>> -> memref<1x80xi32, #tpu.memory_space<vmem>>
      %dma_wait3A_88 = tpu.memref_squeeze %dma_wait3A_87 : memref<1x80xi32, #tpu.memory_space<vmem>> -> memref<80xi32, #tpu.memory_space<vmem>>
      %dma_wait3A_89 = arith.constant 0 : i32
      %dma_wait3A_90 = arith.constant 0 : i32
      %dma_wait3A_91 = tpu.memref_slice %arg2[%dma_wait3A_89, %dma_wait3A_90] : memref<10240x128xf32, #tpu.memory_space<hbm>> -> memref<10240x128xf32, #tpu.memory_space<hbm>>
      tpu.wait_indirect_dma semaphore(%arg17 : memref<!tpu.dma_semaphore, #tpu.memory_space<semaphore_mem>>) src(%dma_wait3A_91 : memref<10240x128xf32, #tpu.memory_space<hbm>>) dst(%arg14 : memref<80x128xf32, #tpu.memory_space<vmem>>)
      %add3A_92 = arith.constant 1 : i32
      %add3A_93 = arith.addi %scan3A_39, %add3A_92 : i32
      %lt3A = arith.constant 32 : i32
      %lt3A_94 = arith.cmpi slt, %add3A_93, %lt3A : i32
      %convert_element_type3A = arith.extui %lt3A_94 : i1 to i32
      %cond3A = arith.constant 0 : i32
      %cond3A_95 = arith.cmpi ne, %convert_element_type3A, %cond3A : i32
      scf.if %cond3A_95 {
        %add3A_126 = arith.constant 2 : i32
        %add3A_127 = arith.addi %mul3A_41, %add3A_126 : i32
        %dma_start3A_128 = arith.constant 0 : i32
        %dma_start3A_129 = tpu.memref_slice %arg11[%add3A_127, %dma_start3A_128] : memref<64x80xi32, #tpu.memory_space<vmem>> -> memref<1x80xi32, #tpu.memory_space<vmem>>
        %dma_start3A_130 = tpu.memref_squeeze %dma_start3A_129 : memref<1x80xi32, #tpu.memory_space<vmem>> -> memref<80xi32, #tpu.memory_space<vmem>>
        %dma_start3A_131 = arith.constant 0 : i32
        %dma_start3A_132 = arith.constant 0 : i32
        %dma_start3A_133 = tpu.memref_slice %arg2[%dma_start3A_131, %dma_start3A_132] : memref<10240x128xf32, #tpu.memory_space<hbm>> -> memref<10240x128xf32, #tpu.memory_space<hbm>>
        tpu.enqueue_indirect_dma source(%dma_start3A_133 : memref<10240x128xf32, #tpu.memory_space<hbm>>) target(%arg13 : memref<80x128xf32, #tpu.memory_space<vmem>>) offsets(%dma_start3A_130 : memref<80xi32, #tpu.memory_space<vmem>>) semaphore(%arg16 : memref<!tpu.dma_semaphore, #tpu.memory_space<semaphore_mem>>)
      } else {
      }
      "tpu.region"() ({
        %run_scoped3A_126 = tpu.sem_alloc : memref<!tpu.dma_semaphore, #tpu.memory_space<semaphore_mem>>
        %dma_start3A_127 = arith.constant 0 : i32
        %dma_start3A_128 = tpu.memref_slice %arg12[%add3A_45, %dma_start3A_127] : memref<64x80xi32, #tpu.memory_space<vmem>> -> memref<1x80xi32, #tpu.memory_space<vmem>>
        %dma_start3A_129 = tpu.memref_squeeze %dma_start3A_128 : memref<1x80xi32, #tpu.memory_space<vmem>> -> memref<80xi32, #tpu.memory_space<vmem>>
        %dma_start3A_130 = arith.constant 0 : i32
        %dma_start3A_131 = arith.constant 0 : i32
        %dma_start3A_132 = tpu.memref_slice %arg15[%dma_start3A_130, %dma_start3A_131] : memref<5120x128xf32, #tpu.memory_space<vmem_shared>> -> memref<5120x128xf32, #tpu.memory_space<vmem_shared>>
        tpu.enqueue_indirect_dma source(%arg14 : memref<80x128xf32, #tpu.memory_space<vmem>>) target(%dma_start3A_132 : memref<5120x128xf32, #tpu.memory_space<vmem_shared>>) offsets(%dma_start3A_129 : memref<80xi32, #tpu.memory_space<vmem>>) semaphore(%run_scoped3A_126 : memref<!tpu.dma_semaphore, #tpu.memory_space<semaphore_mem>>) {add = true}
        %dma_wait3A_133 = arith.constant 0 : i32
        %dma_wait3A_134 = tpu.memref_slice %arg12[%add3A_45, %dma_wait3A_133] : memref<64x80xi32, #tpu.memory_space<vmem>> -> memref<1x80xi32, #tpu.memory_space<vmem>>
        %dma_wait3A_135 = tpu.memref_squeeze %dma_wait3A_134 : memref<1x80xi32, #tpu.memory_space<vmem>> -> memref<80xi32, #tpu.memory_space<vmem>>
        %dma_wait3A_136 = arith.constant 0 : i32
        %dma_wait3A_137 = arith.constant 0 : i32
        %dma_wait3A_138 = tpu.memref_slice %arg15[%dma_wait3A_136, %dma_wait3A_137] : memref<5120x128xf32, #tpu.memory_space<vmem_shared>> -> memref<5120x128xf32, #tpu.memory_space<vmem_shared>>
        tpu.wait_indirect_dma semaphore(%run_scoped3A_126 : memref<!tpu.dma_semaphore, #tpu.memory_space<semaphore_mem>>) src(%arg14 : memref<80x128xf32, #tpu.memory_space<vmem>>) dst(%dma_wait3A_138 : memref<5120x128xf32, #tpu.memory_space<vmem_shared>>)
        tpu.yield
      }) : () -> ()
      %get3A_96 = arith.index_cast %add3A_45 : i32 to index
      %get3A_97 = arith.constant 0 : index
      %get3A_98 = tpu.vector_load %arg12[%get3A_96, %get3A_97] {strides = array<i32>} : memref<64x80xi32, #tpu.memory_space<vmem>>, vector<16xi32>,
      tpu.vector_store_idx %arg18[%get3A_98], %broadcast_in_dim3A_3 {add = true} : memref<5120xf32, #tpu.memory_space<vmem>>[vector<16xi32>], vector<16xf32>,
      %get3A_99 = arith.index_cast %add3A_45 : i32 to index
      %get3A_100 = arith.constant 0 : index
      %get3A_101 = tpu.vector_load %arg11[%get3A_99, %get3A_100] {strides = array<i32>} : memref<64x80xi32, #tpu.memory_space<vmem>>, vector<16xi32>,
      tpu.vector_store_idx %arg19[%get3A_101], %broadcast_in_dim3A_3 {add = true} : memref<10240xf32, #tpu.memory_space<vmem>>[vector<16xi32>], vector<16xf32>,
      %get3A_102 = arith.index_cast %add3A_45 : i32 to index
      %get3A_103 = arith.constant 16 : index
      %get3A_104 = tpu.vector_load %arg12[%get3A_102, %get3A_103] {strides = array<i32>} : memref<64x80xi32, #tpu.memory_space<vmem>>, vector<16xi32>,
      tpu.vector_store_idx %arg18[%get3A_104], %broadcast_in_dim3A_3 {add = true} : memref<5120xf32, #tpu.memory_space<vmem>>[vector<16xi32>], vector<16xf32>,
      %get3A_105 = arith.index_cast %add3A_45 : i32 to index
      %get3A_106 = arith.constant 16 : index
      %get3A_107 = tpu.vector_load %arg11[%get3A_105, %get3A_106] {strides = array<i32>} : memref<64x80xi32, #tpu.memory_space<vmem>>, vector<16xi32>,
      tpu.vector_store_idx %arg19[%get3A_107], %broadcast_in_dim3A_3 {add = true} : memref<10240xf32, #tpu.memory_space<vmem>>[vector<16xi32>], vector<16xf32>,
      %get3A_108 = arith.index_cast %add3A_45 : i32 to index
      %get3A_109 = arith.constant 32 : index
      %get3A_110 = tpu.vector_load %arg12[%get3A_108, %get3A_109] {strides = array<i32>} : memref<64x80xi32, #tpu.memory_space<vmem>>, vector<16xi32>,
      tpu.vector_store_idx %arg18[%get3A_110], %broadcast_in_dim3A_3 {add = true} : memref<5120xf32, #tpu.memory_space<vmem>>[vector<16xi32>], vector<16xf32>,
      %get3A_111 = arith.index_cast %add3A_45 : i32 to index
      %get3A_112 = arith.constant 32 : index
      %get3A_113 = tpu.vector_load %arg11[%get3A_111, %get3A_112] {strides = array<i32>} : memref<64x80xi32, #tpu.memory_space<vmem>>, vector<16xi32>,
      tpu.vector_store_idx %arg19[%get3A_113], %broadcast_in_dim3A_3 {add = true} : memref<10240xf32, #tpu.memory_space<vmem>>[vector<16xi32>], vector<16xf32>,
      %get3A_114 = arith.index_cast %add3A_45 : i32 to index
      %get3A_115 = arith.constant 48 : index
      %get3A_116 = tpu.vector_load %arg12[%get3A_114, %get3A_115] {strides = array<i32>} : memref<64x80xi32, #tpu.memory_space<vmem>>, vector<16xi32>,
      tpu.vector_store_idx %arg18[%get3A_116], %broadcast_in_dim3A_3 {add = true} : memref<5120xf32, #tpu.memory_space<vmem>>[vector<16xi32>], vector<16xf32>,
      %get3A_117 = arith.index_cast %add3A_45 : i32 to index
      %get3A_118 = arith.constant 48 : index
      %get3A_119 = tpu.vector_load %arg11[%get3A_117, %get3A_118] {strides = array<i32>} : memref<64x80xi32, #tpu.memory_space<vmem>>, vector<16xi32>,
      tpu.vector_store_idx %arg19[%get3A_119], %broadcast_in_dim3A_3 {add = true} : memref<10240xf32, #tpu.memory_space<vmem>>[vector<16xi32>], vector<16xf32>,
      %get3A_120 = arith.index_cast %add3A_45 : i32 to index
      %get3A_121 = arith.constant 64 : index
      %get3A_122 = tpu.vector_load %arg12[%get3A_120, %get3A_121] {strides = array<i32>} : memref<64x80xi32, #tpu.memory_space<vmem>>, vector<16xi32>,
      tpu.vector_store_idx %arg18[%get3A_122], %broadcast_in_dim3A_3 {add = true} : memref<5120xf32, #tpu.memory_space<vmem>>[vector<16xi32>], vector<16xf32>,
      %get3A_123 = arith.index_cast %add3A_45 : i32 to index
      %get3A_124 = arith.constant 64 : index
      %get3A_125 = tpu.vector_load %arg11[%get3A_123, %get3A_124] {strides = array<i32>} : memref<64x80xi32, #tpu.memory_space<vmem>>, vector<16xi32>,
      tpu.vector_store_idx %arg19[%get3A_125], %broadcast_in_dim3A_3 {add = true} : memref<10240xf32, #tpu.memory_space<vmem>>[vector<16xi32>], vector<16xf32>,
    }
    %scan3A_15 = arith.constant 32 : i32
    %run_scoped3A_16 = arith.constant 1 : i32
    "tpu.region"() ({
      %run_scoped3A_39 = tpu.sem_alloc : memref<!tpu.dma_semaphore, #tpu.memory_space<semaphore_mem>>
      %dma_start3A_40 = arith.constant 0 : i32
      %dma_start3A_41 = arith.constant 0 : i32
      %dma_start3A_42 = tpu.memref_slice %arg3[%add3A, %run_scoped3A_16, %dma_start3A_40, %dma_start3A_41] : memref<32x2x64x80xi32, #tpu.memory_space<hbm>> -> memref<1x1x64x80xi32, #tpu.memory_space<hbm>>
      %dma_start3A_43 = tpu.memref_squeeze %dma_start3A_42 : memref<1x1x64x80xi32, #tpu.memory_space<hbm>> -> memref<64x80xi32, #tpu.memory_space<hbm>>
      %dma_start3A_44 = arith.constant 0 : i32
      %dma_start3A_45 = arith.constant 0 : i32
      %dma_start3A_46 = tpu.memref_slice %arg3[%add3A, %run_scoped3A_16, %dma_start3A_44, %dma_start3A_45] : memref<32x2x64x80xi32, #tpu.memory_space<hbm>> -> memref<1x1x64x80xi32, #tpu.memory_space<hbm>>
      %dma_start3A_47 = tpu.memref_squeeze %dma_start3A_46 : memref<1x1x64x80xi32, #tpu.memory_space<hbm>> -> memref<64x80xi32, #tpu.memory_space<hbm>>
      tpu.enqueue_dma source(%dma_start3A_47 : memref<64x80xi32, #tpu.memory_space<hbm>>) target(%arg11 : memref<64x80xi32, #tpu.memory_space<vmem>>) target_semaphore(%run_scoped3A_39 : memref<!tpu.dma_semaphore, #tpu.memory_space<semaphore_mem>>)
      %dma_wait3A = arith.constant 0 : i32
      %dma_wait3A_48 = arith.constant 0 : i32
      %dma_wait3A_49 = tpu.memref_slice %arg3[%add3A, %run_scoped3A_16, %dma_wait3A, %dma_wait3A_48] : memref<32x2x64x80xi32, #tpu.memory_space<hbm>> -> memref<1x1x64x80xi32, #tpu.memory_space<hbm>>
      %dma_wait3A_50 = tpu.memref_squeeze %dma_wait3A_49 : memref<1x1x64x80xi32, #tpu.memory_space<hbm>> -> memref<64x80xi32, #tpu.memory_space<hbm>>
      %dma_wait3A_51 = arith.constant 0 : i32
      %dma_wait3A_52 = arith.constant 0 : i32
      %dma_wait3A_53 = tpu.memref_slice %arg3[%add3A, %run_scoped3A_16, %dma_wait3A_51, %dma_wait3A_52] : memref<32x2x64x80xi32, #tpu.memory_space<hbm>> -> memref<1x1x64x80xi32, #tpu.memory_space<hbm>>
      %dma_wait3A_54 = tpu.memref_squeeze %dma_wait3A_53 : memref<1x1x64x80xi32, #tpu.memory_space<hbm>> -> memref<64x80xi32, #tpu.memory_space<hbm>>
      tpu.wait_dma2 semaphore(%run_scoped3A_39 : memref<!tpu.dma_semaphore, #tpu.memory_space<semaphore_mem>>) src(%dma_wait3A_54 : memref<64x80xi32, #tpu.memory_space<hbm>>) dst(%arg11 : memref<64x80xi32, #tpu.memory_space<vmem>>)
      tpu.yield
    }) : () -> ()
    %run_scoped3A_17 = arith.constant 1 : i32
    "tpu.region"() ({
      %run_scoped3A_39 = tpu.sem_alloc : memref<!tpu.dma_semaphore, #tpu.memory_space<semaphore_mem>>
      %dma_start3A_40 = arith.constant 0 : i32
      %dma_start3A_41 = arith.constant 0 : i32
      %dma_start3A_42 = tpu.memref_slice %arg4[%add3A, %run_scoped3A_17, %dma_start3A_40, %dma_start3A_41] : memref<32x2x64x80xi32, #tpu.memory_space<hbm>> -> memref<1x1x64x80xi32, #tpu.memory_space<hbm>>
      %dma_start3A_43 = tpu.memref_squeeze %dma_start3A_42 : memref<1x1x64x80xi32, #tpu.memory_space<hbm>> -> memref<64x80xi32, #tpu.memory_space<hbm>>
      %dma_start3A_44 = arith.constant 0 : i32
      %dma_start3A_45 = arith.constant 0 : i32
      %dma_start3A_46 = tpu.memref_slice %arg4[%add3A, %run_scoped3A_17, %dma_start3A_44, %dma_start3A_45] : memref<32x2x64x80xi32, #tpu.memory_space<hbm>> -> memref<1x1x64x80xi32, #tpu.memory_space<hbm>>
      %dma_start3A_47 = tpu.memref_squeeze %dma_start3A_46 : memref<1x1x64x80xi32, #tpu.memory_space<hbm>> -> memref<64x80xi32, #tpu.memory_space<hbm>>
      tpu.enqueue_dma source(%dma_start3A_47 : memref<64x80xi32, #tpu.memory_space<hbm>>) target(%arg12 : memref<64x80xi32, #tpu.memory_space<vmem>>) target_semaphore(%run_scoped3A_39 : memref<!tpu.dma_semaphore, #tpu.memory_space<semaphore_mem>>)
      %dma_wait3A = arith.constant 0 : i32
      %dma_wait3A_48 = arith.constant 0 : i32
      %dma_wait3A_49 = tpu.memref_slice %arg4[%add3A, %run_scoped3A_17, %dma_wait3A, %dma_wait3A_48] : memref<32x2x64x80xi32, #tpu.memory_space<hbm>> -> memref<1x1x64x80xi32, #tpu.memory_space<hbm>>
      %dma_wait3A_50 = tpu.memref_squeeze %dma_wait3A_49 : memref<1x1x64x80xi32, #tpu.memory_space<hbm>> -> memref<64x80xi32, #tpu.memory_space<hbm>>
      %dma_wait3A_51 = arith.constant 0 : i32
      %dma_wait3A_52 = arith.constant 0 : i32
      %dma_wait3A_53 = tpu.memref_slice %arg4[%add3A, %run_scoped3A_17, %dma_wait3A_51, %dma_wait3A_52] : memref<32x2x64x80xi32, #tpu.memory_space<hbm>> -> memref<1x1x64x80xi32, #tpu.memory_space<hbm>>
      %dma_wait3A_54 = tpu.memref_squeeze %dma_wait3A_53 : memref<1x1x64x80xi32, #tpu.memory_space<hbm>> -> memref<64x80xi32, #tpu.memory_space<hbm>>
      tpu.wait_dma2 semaphore(%run_scoped3A_39 : memref<!tpu.dma_semaphore, #tpu.memory_space<semaphore_mem>>) src(%dma_wait3A_54 : memref<64x80xi32, #tpu.memory_space<hbm>>) dst(%arg12 : memref<64x80xi32, #tpu.memory_space<vmem>>)
      tpu.yield
    }) : () -> ()
    %dma_start3A_18 = arith.constant 0 : i32
    %dma_start3A_19 = arith.constant 0 : i32
    %dma_start3A_20 = tpu.memref_slice %arg11[%dma_start3A_18, %dma_start3A_19] : memref<64x80xi32, #tpu.memory_space<vmem>> -> memref<1x80xi32, #tpu.memory_space<vmem>>
    %dma_start3A_21 = tpu.memref_squeeze %dma_start3A_20 : memref<1x80xi32, #tpu.memory_space<vmem>> -> memref<80xi32, #tpu.memory_space<vmem>>
    %dma_start3A_22 = arith.constant 0 : i32
    %dma_start3A_23 = arith.constant 0 : i32
    %dma_start3A_24 = tpu.memref_slice %arg2[%dma_start3A_22, %dma_start3A_23] : memref<10240x128xf32, #tpu.memory_space<hbm>> -> memref<10240x128xf32, #tpu.memory_space<hbm>>
    tpu.enqueue_indirect_dma source(%dma_start3A_24 : memref<10240x128xf32, #tpu.memory_space<hbm>>) target(%arg13 : memref<80x128xf32, #tpu.memory_space<vmem>>) offsets(%dma_start3A_21 : memref<80xi32, #tpu.memory_space<vmem>>) semaphore(%arg16 : memref<!tpu.dma_semaphore, #tpu.memory_space<semaphore_mem>>)
    %scan3A_25 = arith.constant 0 : i32
    %scan3A_26 = arith.constant 0 : i32
    %scan3A_27 = arith.constant 32 : i32
    %scan3A_28 = arith.addi %scan3A_26, %scan3A_27 : i32
    %scan3A_29 = arith.constant 1 : i32
    scf.for %scan3A_39 = %scan3A_26 to %scan3A_28 step %scan3A_29  : i32 {
      %mul3A_40 = arith.constant 2 : i32
      %mul3A_41 = arith.muli %mul3A_40, %scan3A_39 : i32
      %mul3A_42 = arith.constant 2 : i32
      %mul3A_43 = arith.muli %mul3A_42, %scan3A_39 : i32
      %add3A_44 = arith.constant 1 : i32
      %add3A_45 = arith.addi %mul3A_43, %add3A_44 : i32
      %dma_wait3A = arith.constant 0 : i32
      %dma_wait3A_46 = tpu.memref_slice %arg11[%mul3A_41, %dma_wait3A] : memref<64x80xi32, #tpu.memory_space<vmem>> -> memref<1x80xi32, #tpu.memory_space<vmem>>
      %dma_wait3A_47 = tpu.memref_squeeze %dma_wait3A_46 : memref<1x80xi32, #tpu.memory_space<vmem>> -> memref<80xi32, #tpu.memory_space<vmem>>
      %dma_wait3A_48 = arith.constant 0 : i32
      %dma_wait3A_49 = arith.constant 0 : i32
      %dma_wait3A_50 = tpu.memref_slice %arg2[%dma_wait3A_48, %dma_wait3A_49] : memref<10240x128xf32, #tpu.memory_space<hbm>> -> memref<10240x128xf32, #tpu.memory_space<hbm>>
      tpu.wait_indirect_dma semaphore(%arg16 : memref<!tpu.dma_semaphore, #tpu.memory_space<semaphore_mem>>) src(%dma_wait3A_50 : memref<10240x128xf32, #tpu.memory_space<hbm>>) dst(%arg13 : memref<80x128xf32, #tpu.memory_space<vmem>>)
      %dma_start3A_51 = arith.constant 0 : i32
      %dma_start3A_52 = tpu.memref_slice %arg11[%add3A_45, %dma_start3A_51] : memref<64x80xi32, #tpu.memory_space<vmem>> -> memref<1x80xi32, #tpu.memory_space<vmem>>
      %dma_start3A_53 = tpu.memref_squeeze %dma_start3A_52 : memref<1x80xi32, #tpu.memory_space<vmem>> -> memref<80xi32, #tpu.memory_space<vmem>>
      %dma_start3A_54 = arith.constant 0 : i32
      %dma_start3A_55 = arith.constant 0 : i32
      %dma_start3A_56 = tpu.memref_slice %arg2[%dma_start3A_54, %dma_start3A_55] : memref<10240x128xf32, #tpu.memory_space<hbm>> -> memref<10240x128xf32, #tpu.memory_space<hbm>>
      tpu.enqueue_indirect_dma source(%dma_start3A_56 : memref<10240x128xf32, #tpu.memory_space<hbm>>) target(%arg14 : memref<80x128xf32, #tpu.memory_space<vmem>>) offsets(%dma_start3A_53 : memref<80xi32, #tpu.memory_space<vmem>>) semaphore(%arg17 : memref<!tpu.dma_semaphore, #tpu.memory_space<semaphore_mem>>)
      "tpu.region"() ({
        %run_scoped3A_126 = tpu.sem_alloc : memref<!tpu.dma_semaphore, #tpu.memory_space<semaphore_mem>>
        %dma_start3A_127 = arith.constant 0 : i32
        %dma_start3A_128 = tpu.memref_slice %arg12[%mul3A_41, %dma_start3A_127] : memref<64x80xi32, #tpu.memory_space<vmem>> -> memref<1x80xi32, #tpu.memory_space<vmem>>
        %dma_start3A_129 = tpu.memref_squeeze %dma_start3A_128 : memref<1x80xi32, #tpu.memory_space<vmem>> -> memref<80xi32, #tpu.memory_space<vmem>>
        %dma_start3A_130 = arith.constant 0 : i32
        %dma_start3A_131 = arith.constant 0 : i32
        %dma_start3A_132 = tpu.memref_slice %arg15[%dma_start3A_130, %dma_start3A_131] : memref<5120x128xf32, #tpu.memory_space<vmem_shared>> -> memref<5120x128xf32, #tpu.memory_space<vmem_shared>>
        tpu.enqueue_indirect_dma source(%arg13 : memref<80x128xf32, #tpu.memory_space<vmem>>) target(%dma_start3A_132 : memref<5120x128xf32, #tpu.memory_space<vmem_shared>>) offsets(%dma_start3A_129 : memref<80xi32, #tpu.memory_space<vmem>>) semaphore(%run_scoped3A_126 : memref<!tpu.dma_semaphore, #tpu.memory_space<semaphore_mem>>) {add = true}
        %dma_wait3A_133 = arith.constant 0 : i32
        %dma_wait3A_134 = tpu.memref_slice %arg12[%mul3A_41, %dma_wait3A_133] : memref<64x80xi32, #tpu.memory_space<vmem>> -> memref<1x80xi32, #tpu.memory_space<vmem>>
        %dma_wait3A_135 = tpu.memref_squeeze %dma_wait3A_134 : memref<1x80xi32, #tpu.memory_space<vmem>> -> memref<80xi32, #tpu.memory_space<vmem>>
        %dma_wait3A_136 = arith.constant 0 : i32
        %dma_wait3A_137 = arith.constant 0 : i32
        %dma_wait3A_138 = tpu.memref_slice %arg15[%dma_wait3A_136, %dma_wait3A_137] : memref<5120x128xf32, #tpu.memory_space<vmem_shared>> -> memref<5120x128xf32, #tpu.memory_space<vmem_shared>>
        tpu.wait_indirect_dma semaphore(%run_scoped3A_126 : memref<!tpu.dma_semaphore, #tpu.memory_space<semaphore_mem>>) src(%arg13 : memref<80x128xf32, #tpu.memory_space<vmem>>) dst(%dma_wait3A_138 : memref<5120x128xf32, #tpu.memory_space<vmem_shared>>)
        tpu.yield
      }) : () -> ()
      %get3A = arith.index_cast %mul3A_41 : i32 to index
      %get3A_57 = arith.constant 0 : index
      %get3A_58 = tpu.vector_load %arg12[%get3A, %get3A_57] {strides = array<i32>} : memref<64x80xi32, #tpu.memory_space<vmem>>, vector<16xi32>,
      tpu.vector_store_idx %arg18[%get3A_58], %broadcast_in_dim3A_3 {add = true} : memref<5120xf32, #tpu.memory_space<vmem>>[vector<16xi32>], vector<16xf32>,
      %get3A_59 = arith.index_cast %mul3A_41 : i32 to index
      %get3A_60 = arith.constant 0 : index
      %get3A_61 = tpu.vector_load %arg11[%get3A_59, %get3A_60] {strides = array<i32>} : memref<64x80xi32, #tpu.memory_space<vmem>>, vector<16xi32>,
      tpu.vector_store_idx %arg19[%get3A_61], %broadcast_in_dim3A_3 {add = true} : memref<10240xf32, #tpu.memory_space<vmem>>[vector<16xi32>], vector<16xf32>,
      %get3A_62 = arith.index_cast %mul3A_41 : i32 to index
      %get3A_63 = arith.constant 16 : index
      %get3A_64 = tpu.vector_load %arg12[%get3A_62, %get3A_63] {strides = array<i32>} : memref<64x80xi32, #tpu.memory_space<vmem>>, vector<16xi32>,
      tpu.vector_store_idx %arg18[%get3A_64], %broadcast_in_dim3A_3 {add = true} : memref<5120xf32, #tpu.memory_space<vmem>>[vector<16xi32>], vector<16xf32>,
      %get3A_65 = arith.index_cast %mul3A_41 : i32 to index
      %get3A_66 = arith.constant 16 : index
      %get3A_67 = tpu.vector_load %arg11[%get3A_65, %get3A_66] {strides = array<i32>} : memref<64x80xi32, #tpu.memory_space<vmem>>, vector<16xi32>,
      tpu.vector_store_idx %arg19[%get3A_67], %broadcast_in_dim3A_3 {add = true} : memref<10240xf32, #tpu.memory_space<vmem>>[vector<16xi32>], vector<16xf32>,
      %get3A_68 = arith.index_cast %mul3A_41 : i32 to index
      %get3A_69 = arith.constant 32 : index
      %get3A_70 = tpu.vector_load %arg12[%get3A_68, %get3A_69] {strides = array<i32>} : memref<64x80xi32, #tpu.memory_space<vmem>>, vector<16xi32>,
      tpu.vector_store_idx %arg18[%get3A_70], %broadcast_in_dim3A_3 {add = true} : memref<5120xf32, #tpu.memory_space<vmem>>[vector<16xi32>], vector<16xf32>,
      %get3A_71 = arith.index_cast %mul3A_41 : i32 to index
      %get3A_72 = arith.constant 32 : index
      %get3A_73 = tpu.vector_load %arg11[%get3A_71, %get3A_72] {strides = array<i32>} : memref<64x80xi32, #tpu.memory_space<vmem>>, vector<16xi32>,
      tpu.vector_store_idx %arg19[%get3A_73], %broadcast_in_dim3A_3 {add = true} : memref<10240xf32, #tpu.memory_space<vmem>>[vector<16xi32>], vector<16xf32>,
      %get3A_74 = arith.index_cast %mul3A_41 : i32 to index
      %get3A_75 = arith.constant 48 : index
      %get3A_76 = tpu.vector_load %arg12[%get3A_74, %get3A_75] {strides = array<i32>} : memref<64x80xi32, #tpu.memory_space<vmem>>, vector<16xi32>,
      tpu.vector_store_idx %arg18[%get3A_76], %broadcast_in_dim3A_3 {add = true} : memref<5120xf32, #tpu.memory_space<vmem>>[vector<16xi32>], vector<16xf32>,
      %get3A_77 = arith.index_cast %mul3A_41 : i32 to index
      %get3A_78 = arith.constant 48 : index
      %get3A_79 = tpu.vector_load %arg11[%get3A_77, %get3A_78] {strides = array<i32>} : memref<64x80xi32, #tpu.memory_space<vmem>>, vector<16xi32>,
      tpu.vector_store_idx %arg19[%get3A_79], %broadcast_in_dim3A_3 {add = true} : memref<10240xf32, #tpu.memory_space<vmem>>[vector<16xi32>], vector<16xf32>,
      %get3A_80 = arith.index_cast %mul3A_41 : i32 to index
      %get3A_81 = arith.constant 64 : index
      %get3A_82 = tpu.vector_load %arg12[%get3A_80, %get3A_81] {strides = array<i32>} : memref<64x80xi32, #tpu.memory_space<vmem>>, vector<16xi32>,
      tpu.vector_store_idx %arg18[%get3A_82], %broadcast_in_dim3A_3 {add = true} : memref<5120xf32, #tpu.memory_space<vmem>>[vector<16xi32>], vector<16xf32>,
      %get3A_83 = arith.index_cast %mul3A_41 : i32 to index
      %get3A_84 = arith.constant 64 : index
      %get3A_85 = tpu.vector_load %arg11[%get3A_83, %get3A_84] {strides = array<i32>} : memref<64x80xi32, #tpu.memory_space<vmem>>, vector<16xi32>,
      tpu.vector_store_idx %arg19[%get3A_85], %broadcast_in_dim3A_3 {add = true} : memref<10240xf32, #tpu.memory_space<vmem>>[vector<16xi32>], vector<16xf32>,
      %dma_wait3A_86 = arith.constant 0 : i32
      %dma_wait3A_87 = tpu.memref_slice %arg11[%add3A_45, %dma_wait3A_86] : memref<64x80xi32, #tpu.memory_space<vmem>> -> memref<1x80xi32, #tpu.memory_space<vmem>>
      %dma_wait3A_88 = tpu.memref_squeeze %dma_wait3A_87 : memref<1x80xi32, #tpu.memory_space<vmem>> -> memref<80xi32, #tpu.memory_space<vmem>>
      %dma_wait3A_89 = arith.constant 0 : i32
      %dma_wait3A_90 = arith.constant 0 : i32
      %dma_wait3A_91 = tpu.memref_slice %arg2[%dma_wait3A_89, %dma_wait3A_90] : memref<10240x128xf32, #tpu.memory_space<hbm>> -> memref<10240x128xf32, #tpu.memory_space<hbm>>
      tpu.wait_indirect_dma semaphore(%arg17 : memref<!tpu.dma_semaphore, #tpu.memory_space<semaphore_mem>>) src(%dma_wait3A_91 : memref<10240x128xf32, #tpu.memory_space<hbm>>) dst(%arg14 : memref<80x128xf32, #tpu.memory_space<vmem>>)
      %add3A_92 = arith.constant 1 : i32
      %add3A_93 = arith.addi %scan3A_39, %add3A_92 : i32
      %lt3A = arith.constant 32 : i32
      %lt3A_94 = arith.cmpi slt, %add3A_93, %lt3A : i32
      %convert_element_type3A = arith.extui %lt3A_94 : i1 to i32
      %cond3A = arith.constant 0 : i32
      %cond3A_95 = arith.cmpi ne, %convert_element_type3A, %cond3A : i32
      scf.if %cond3A_95 {
        %add3A_126 = arith.constant 2 : i32
        %add3A_127 = arith.addi %mul3A_41, %add3A_126 : i32
        %dma_start3A_128 = arith.constant 0 : i32
        %dma_start3A_129 = tpu.memref_slice %arg11[%add3A_127, %dma_start3A_128] : memref<64x80xi32, #tpu.memory_space<vmem>> -> memref<1x80xi32, #tpu.memory_space<vmem>>
        %dma_start3A_130 = tpu.memref_squeeze %dma_start3A_129 : memref<1x80xi32, #tpu.memory_space<vmem>> -> memref<80xi32, #tpu.memory_space<vmem>>
        %dma_start3A_131 = arith.constant 0 : i32
        %dma_start3A_132 = arith.constant 0 : i32
        %dma_start3A_133 = tpu.memref_slice %arg2[%dma_start3A_131, %dma_start3A_132] : memref<10240x128xf32, #tpu.memory_space<hbm>> -> memref<10240x128xf32, #tpu.memory_space<hbm>>
        tpu.enqueue_indirect_dma source(%dma_start3A_133 : memref<10240x128xf32, #tpu.memory_space<hbm>>) target(%arg13 : memref<80x128xf32, #tpu.memory_space<vmem>>) offsets(%dma_start3A_130 : memref<80xi32, #tpu.memory_space<vmem>>) semaphore(%arg16 : memref<!tpu.dma_semaphore, #tpu.memory_space<semaphore_mem>>)
      } else {
      }
      "tpu.region"() ({
        %run_scoped3A_126 = tpu.sem_alloc : memref<!tpu.dma_semaphore, #tpu.memory_space<semaphore_mem>>
        %dma_start3A_127 = arith.constant 0 : i32
        %dma_start3A_128 = tpu.memref_slice %arg12[%add3A_45, %dma_start3A_127] : memref<64x80xi32, #tpu.memory_space<vmem>> -> memref<1x80xi32, #tpu.memory_space<vmem>>
        %dma_start3A_129 = tpu.memref_squeeze %dma_start3A_128 : memref<1x80xi32, #tpu.memory_space<vmem>> -> memref<80xi32, #tpu.memory_space<vmem>>
        %dma_start3A_130 = arith.constant 0 : i32
        %dma_start3A_131 = arith.constant 0 : i32
        %dma_start3A_132 = tpu.memref_slice %arg15[%dma_start3A_130, %dma_start3A_131] : memref<5120x128xf32, #tpu.memory_space<vmem_shared>> -> memref<5120x128xf32, #tpu.memory_space<vmem_shared>>
        tpu.enqueue_indirect_dma source(%arg14 : memref<80x128xf32, #tpu.memory_space<vmem>>) target(%dma_start3A_132 : memref<5120x128xf32, #tpu.memory_space<vmem_shared>>) offsets(%dma_start3A_129 : memref<80xi32, #tpu.memory_space<vmem>>) semaphore(%run_scoped3A_126 : memref<!tpu.dma_semaphore, #tpu.memory_space<semaphore_mem>>) {add = true}
        %dma_wait3A_133 = arith.constant 0 : i32
        %dma_wait3A_134 = tpu.memref_slice %arg12[%add3A_45, %dma_wait3A_133] : memref<64x80xi32, #tpu.memory_space<vmem>> -> memref<1x80xi32, #tpu.memory_space<vmem>>
        %dma_wait3A_135 = tpu.memref_squeeze %dma_wait3A_134 : memref<1x80xi32, #tpu.memory_space<vmem>> -> memref<80xi32, #tpu.memory_space<vmem>>
        %dma_wait3A_136 = arith.constant 0 : i32
        %dma_wait3A_137 = arith.constant 0 : i32
        %dma_wait3A_138 = tpu.memref_slice %arg15[%dma_wait3A_136, %dma_wait3A_137] : memref<5120x128xf32, #tpu.memory_space<vmem_shared>> -> memref<5120x128xf32, #tpu.memory_space<vmem_shared>>
        tpu.wait_indirect_dma semaphore(%run_scoped3A_126 : memref<!tpu.dma_semaphore, #tpu.memory_space<semaphore_mem>>) src(%arg14 : memref<80x128xf32, #tpu.memory_space<vmem>>) dst(%dma_wait3A_138 : memref<5120x128xf32, #tpu.memory_space<vmem_shared>>)
        tpu.yield
      }) : () -> ()
      %get3A_96 = arith.index_cast %add3A_45 : i32 to index
      %get3A_97 = arith.constant 0 : index
      %get3A_98 = tpu.vector_load %arg12[%get3A_96, %get3A_97] {strides = array<i32>} : memref<64x80xi32, #tpu.memory_space<vmem>>, vector<16xi32>,
      tpu.vector_store_idx %arg18[%get3A_98], %broadcast_in_dim3A_3 {add = true} : memref<5120xf32, #tpu.memory_space<vmem>>[vector<16xi32>], vector<16xf32>,
      %get3A_99 = arith.index_cast %add3A_45 : i32 to index
      %get3A_100 = arith.constant 0 : index
      %get3A_101 = tpu.vector_load %arg11[%get3A_99, %get3A_100] {strides = array<i32>} : memref<64x80xi32, #tpu.memory_space<vmem>>, vector<16xi32>,
      tpu.vector_store_idx %arg19[%get3A_101], %broadcast_in_dim3A_3 {add = true} : memref<10240xf32, #tpu.memory_space<vmem>>[vector<16xi32>], vector<16xf32>,
      %get3A_102 = arith.index_cast %add3A_45 : i32 to index
      %get3A_103 = arith.constant 16 : index
      %get3A_104 = tpu.vector_load %arg12[%get3A_102, %get3A_103] {strides = array<i32>} : memref<64x80xi32, #tpu.memory_space<vmem>>, vector<16xi32>,
      tpu.vector_store_idx %arg18[%get3A_104], %broadcast_in_dim3A_3 {add = true} : memref<5120xf32, #tpu.memory_space<vmem>>[vector<16xi32>], vector<16xf32>,
      %get3A_105 = arith.index_cast %add3A_45 : i32 to index
      %get3A_106 = arith.constant 16 : index
      %get3A_107 = tpu.vector_load %arg11[%get3A_105, %get3A_106] {strides = array<i32>} : memref<64x80xi32, #tpu.memory_space<vmem>>, vector<16xi32>,
      tpu.vector_store_idx %arg19[%get3A_107], %broadcast_in_dim3A_3 {add = true} : memref<10240xf32, #tpu.memory_space<vmem>>[vector<16xi32>], vector<16xf32>,
      %get3A_108 = arith.index_cast %add3A_45 : i32 to index
      %get3A_109 = arith.constant 32 : index
      %get3A_110 = tpu.vector_load %arg12[%get3A_108, %get3A_109] {strides = array<i32>} : memref<64x80xi32, #tpu.memory_space<vmem>>, vector<16xi32>,
      tpu.vector_store_idx %arg18[%get3A_110], %broadcast_in_dim3A_3 {add = true} : memref<5120xf32, #tpu.memory_space<vmem>>[vector<16xi32>], vector<16xf32>,
      %get3A_111 = arith.index_cast %add3A_45 : i32 to index
      %get3A_112 = arith.constant 32 : index
      %get3A_113 = tpu.vector_load %arg11[%get3A_111, %get3A_112] {strides = array<i32>} : memref<64x80xi32, #tpu.memory_space<vmem>>, vector<16xi32>,
      tpu.vector_store_idx %arg19[%get3A_113], %broadcast_in_dim3A_3 {add = true} : memref<10240xf32, #tpu.memory_space<vmem>>[vector<16xi32>], vector<16xf32>,
      %get3A_114 = arith.index_cast %add3A_45 : i32 to index
      %get3A_115 = arith.constant 48 : index
      %get3A_116 = tpu.vector_load %arg12[%get3A_114, %get3A_115] {strides = array<i32>} : memref<64x80xi32, #tpu.memory_space<vmem>>, vector<16xi32>,
      tpu.vector_store_idx %arg18[%get3A_116], %broadcast_in_dim3A_3 {add = true} : memref<5120xf32, #tpu.memory_space<vmem>>[vector<16xi32>], vector<16xf32>,
      %get3A_117 = arith.index_cast %add3A_45 : i32 to index
      %get3A_118 = arith.constant 48 : index
      %get3A_119 = tpu.vector_load %arg11[%get3A_117, %get3A_118] {strides = array<i32>} : memref<64x80xi32, #tpu.memory_space<vmem>>, vector<16xi32>,
      tpu.vector_store_idx %arg19[%get3A_119], %broadcast_in_dim3A_3 {add = true} : memref<10240xf32, #tpu.memory_space<vmem>>[vector<16xi32>], vector<16xf32>,
      %get3A_120 = arith.index_cast %add3A_45 : i32 to index
      %get3A_121 = arith.constant 64 : index
      %get3A_122 = tpu.vector_load %arg12[%get3A_120, %get3A_121] {strides = array<i32>} : memref<64x80xi32, #tpu.memory_space<vmem>>, vector<16xi32>,
      tpu.vector_store_idx %arg18[%get3A_122], %broadcast_in_dim3A_3 {add = true} : memref<5120xf32, #tpu.memory_space<vmem>>[vector<16xi32>], vector<16xf32>,
      %get3A_123 = arith.index_cast %add3A_45 : i32 to index
      %get3A_124 = arith.constant 64 : index
      %get3A_125 = tpu.vector_load %arg11[%get3A_123, %get3A_124] {strides = array<i32>} : memref<64x80xi32, #tpu.memory_space<vmem>>, vector<16xi32>,
      tpu.vector_store_idx %arg19[%get3A_125], %broadcast_in_dim3A_3 {add = true} : memref<10240xf32, #tpu.memory_space<vmem>>[vector<16xi32>], vector<16xf32>,
    }
    %scan3A_30 = arith.constant 32 : i32
    %barrier3A_31 = arith.constant 0 : index
    tpu.barrier barrier_id(%barrier3A_31)
    %mul3A_32 = arith.constant 5120 : i32
    %mul3A_33 = arith.muli %arg0, %mul3A_32 : i32
    %mul3A_34 = arith.constant 320 : i32
    %mul3A_35 = arith.muli %arg1, %mul3A_34 : i32
    %add3A_36 = arith.addi %mul3A_33, %mul3A_35 : i32
    %mul3A_37 = arith.constant 320 : i32
    %mul3A_38 = arith.muli %arg1, %mul3A_37 : i32
    "tpu.region"() ({
      %run_scoped3A_39 = tpu.sem_alloc : memref<!tpu.dma_semaphore, #tpu.memory_space<semaphore_mem>>
      %dma_start3A_40 = arith.constant 0 : i32
      %dma_start3A_41 = tpu.memref_slice %arg8[%add3A_36, %dma_start3A_40] : memref<10240x128xf32, #tpu.memory_space<hbm>> -> memref<320x128xf32, #tpu.memory_space<hbm>>
      %dma_start3A_42 = arith.constant 0 : i32
      %dma_start3A_43 = tpu.memref_slice %arg15[%mul3A_38, %dma_start3A_42] : memref<5120x128xf32, #tpu.memory_space<vmem_shared>> -> memref<320x128xf32, #tpu.memory_space<vmem_shared>>
      tpu.enqueue_dma source(%dma_start3A_43 : memref<320x128xf32, #tpu.memory_space<vmem_shared>>) target(%dma_start3A_41 : memref<320x128xf32, #tpu.memory_space<hbm>>) target_semaphore(%run_scoped3A_39 : memref<!tpu.dma_semaphore, #tpu.memory_space<semaphore_mem>>)
      %dma_wait3A = arith.constant 0 : i32
      %dma_wait3A_44 = tpu.memref_slice %arg8[%add3A_36, %dma_wait3A] : memref<10240x128xf32, #tpu.memory_space<hbm>> -> memref<320x128xf32, #tpu.memory_space<hbm>>
      %dma_wait3A_45 = arith.constant 0 : i32
      %dma_wait3A_46 = tpu.memref_slice %arg15[%mul3A_38, %dma_wait3A_45] : memref<5120x128xf32, #tpu.memory_space<vmem_shared>> -> memref<320x128xf32, #tpu.memory_space<vmem_shared>>
      tpu.wait_dma2 semaphore(%run_scoped3A_39 : memref<!tpu.dma_semaphore, #tpu.memory_space<semaphore_mem>>) src(%dma_wait3A_46 : memref<320x128xf32, #tpu.memory_space<vmem_shared>>) dst(%dma_wait3A_44 : memref<320x128xf32, #tpu.memory_space<hbm>>)
      tpu.yield
    }) : () -> ()
    "tpu.region"() ({
      %run_scoped3A_39 = tpu.sem_alloc : memref<!tpu.dma_semaphore, #tpu.memory_space<semaphore_mem>>
      %dma_start3A_40 = arith.constant 0 : i32
      %dma_start3A_41 = tpu.memref_slice %arg9[%add3A, %dma_start3A_40] : memref<32x5120xf32, #tpu.memory_space<hbm>> -> memref<1x5120xf32, #tpu.memory_space<hbm>>
      %dma_start3A_42 = tpu.memref_squeeze %dma_start3A_41 : memref<1x5120xf32, #tpu.memory_space<hbm>> -> memref<5120xf32, #tpu.memory_space<hbm>>
      %dma_start3A_43 = arith.constant 0 : i32
      %dma_start3A_44 = tpu.memref_slice %arg9[%add3A, %dma_start3A_43] : memref<32x5120xf32, #tpu.memory_space<hbm>> -> memref<1x5120xf32, #tpu.memory_space<hbm>>
      %dma_start3A_45 = tpu.memref_squeeze %dma_start3A_44 : memref<1x5120xf32, #tpu.memory_space<hbm>> -> memref<5120xf32, #tpu.memory_space<hbm>>
      tpu.enqueue_dma source(%arg18 : memref<5120xf32, #tpu.memory_space<vmem>>) target(%dma_start3A_45 : memref<5120xf32, #tpu.memory_space<hbm>>) target_semaphore(%run_scoped3A_39 : memref<!tpu.dma_semaphore, #tpu.memory_space<semaphore_mem>>)
      %dma_wait3A = arith.constant 0 : i32
      %dma_wait3A_46 = tpu.memref_slice %arg9[%add3A, %dma_wait3A] : memref<32x5120xf32, #tpu.memory_space<hbm>> -> memref<1x5120xf32, #tpu.memory_space<hbm>>
      %dma_wait3A_47 = tpu.memref_squeeze %dma_wait3A_46 : memref<1x5120xf32, #tpu.memory_space<hbm>> -> memref<5120xf32, #tpu.memory_space<hbm>>
      %dma_wait3A_48 = arith.constant 0 : i32
      %dma_wait3A_49 = tpu.memref_slice %arg9[%add3A, %dma_wait3A_48] : memref<32x5120xf32, #tpu.memory_space<hbm>> -> memref<1x5120xf32, #tpu.memory_space<hbm>>
      %dma_wait3A_50 = tpu.memref_squeeze %dma_wait3A_49 : memref<1x5120xf32, #tpu.memory_space<hbm>> -> memref<5120xf32, #tpu.memory_space<hbm>>
      tpu.wait_dma2 semaphore(%run_scoped3A_39 : memref<!tpu.dma_semaphore, #tpu.memory_space<semaphore_mem>>) src(%arg18 : memref<5120xf32, #tpu.memory_space<vmem>>) dst(%dma_wait3A_50 : memref<5120xf32, #tpu.memory_space<hbm>>)
      tpu.yield
    }) : () -> ()
    "tpu.region"() ({
      %run_scoped3A_39 = tpu.sem_alloc : memref<!tpu.dma_semaphore, #tpu.memory_space<semaphore_mem>>
      %dma_start3A_40 = arith.constant 0 : i32
      %dma_start3A_41 = tpu.memref_slice %arg10[%add3A, %dma_start3A_40] : memref<32x10240xf32, #tpu.memory_space<hbm>> -> memref<1x10240xf32, #tpu.memory_space<hbm>>
      %dma_start3A_42 = tpu.memref_squeeze %dma_start3A_41 : memref<1x10240xf32, #tpu.memory_space<hbm>> -> memref<10240xf32, #tpu.memory_space<hbm>>
      %dma_start3A_43 = arith.constant 0 : i32
      %dma_start3A_44 = tpu.memref_slice %arg10[%add3A, %dma_start3A_43] : memref<32x10240xf32, #tpu.memory_space<hbm>> -> memref<1x10240xf32, #tpu.memory_space<hbm>>
      %dma_start3A_45 = tpu.memref_squeeze %dma_start3A_44 : memref<1x10240xf32, #tpu.memory_space<hbm>> -> memref<10240xf32, #tpu.memory_space<hbm>>
      tpu.enqueue_dma source(%arg19 : memref<10240xf32, #tpu.memory_space<vmem>>) target(%dma_start3A_45 : memref<10240xf32, #tpu.memory_space<hbm>>) target_semaphore(%run_scoped3A_39 : memref<!tpu.dma_semaphore, #tpu.memory_space<semaphore_mem>>)
      %dma_wait3A = arith.constant 0 : i32
      %dma_wait3A_46 = tpu.memref_slice %arg10[%add3A, %dma_wait3A] : memref<32x10240xf32, #tpu.memory_space<hbm>> -> memref<1x10240xf32, #tpu.memory_space<hbm>>
      %dma_wait3A_47 = tpu.memref_squeeze %dma_wait3A_46 : memref<1x10240xf32, #tpu.memory_space<hbm>> -> memref<10240xf32, #tpu.memory_space<hbm>>
      %dma_wait3A_48 = arith.constant 0 : i32
      %dma_wait3A_49 = tpu.memref_slice %arg10[%add3A, %dma_wait3A_48] : memref<32x10240xf32, #tpu.memory_space<hbm>> -> memref<1x10240xf32, #tpu.memory_space<hbm>>
      %dma_wait3A_50 = tpu.memref_squeeze %dma_wait3A_49 : memref<1x10240xf32, #tpu.memory_space<hbm>> -> memref<10240xf32, #tpu.memory_space<hbm>>
      tpu.wait_dma2 semaphore(%run_scoped3A_39 : memref<!tpu.dma_semaphore, #tpu.memory_space<semaphore_mem>>) src(%arg19 : memref<10240xf32, #tpu.memory_space<vmem>>) dst(%dma_wait3A_50 : memref<10240xf32, #tpu.memory_space<hbm>>)
      tpu.yield
    }) : () -> ()
    return
  }
}

#map = affine_map<(d0, d1) -> (0, 0)>
#map1 = affine_map<(d0, d1) -> (0, 0, 0, 0)>
#map2 = affine_map<(d0, d1) -> (0)>
module attributes {stable_mosaic.version = 14 : i64} {
  func.func @sc_kernel(%arg0: i32, %arg1: i32, %arg2: memref<5120x128xf32, #tpu.memory_space<hbm>>, %arg3: memref<32x2x64x80xi32, #tpu.memory_space<hbm>>, %arg4: memref<32x2x64x80xi32, #tpu.memory_space<hbm>>, %arg5: memref<640x128xf32, #tpu.memory_space<hbm>>, %arg6: memref<5120xf32, #tpu.memory_space<hbm>>, %arg7: memref<10240xf32, #tpu.memory_space<hbm>>, %arg8: memref<20480x128xf32, #tpu.memory_space<hbm>>, %arg9: memref<64x80xi32, #tpu.memory_space<vmem>>, %arg10: memref<64x80xi32, #tpu.memory_space<vmem>>, %arg11: memref<80x128xf32, #tpu.memory_space<vmem>>, %arg12: memref<80x128xf32, #tpu.memory_space<vmem>>, %arg13: memref<10240x128xf32, #tpu.memory_space<vmem_shared>>, %arg14: memref<!tpu.dma_semaphore, #tpu.memory_space<semaphore_mem>>, %arg15: memref<!tpu.dma_semaphore, #tpu.memory_space<semaphore_mem>>) attributes {dimension_semantics = [#tpu.dimension_semantics<core_parallel>, #tpu.dimension_semantics<subcore_parallel>], iteration_bounds = array<i64: 2, 16>, scalar_prefetch = 0 : i64, scratch_operands = 7 : i64, tpu.core_type = #tpu.core_type<sc_vector_subcore>, window_params = [{transform_indices = #map}, {transform_indices = #map1}, {transform_indices = #map1}, {transform_indices = #map}, {transform_indices = #map2}, {transform_indices = #map2}, {transform_indices = #map}]} {
    %mul3A = arith.constant 2 : i32
    %mul3A_0 = arith.muli %arg1, %mul3A : i32
    %add3A = arith.addi %mul3A_0, %arg0 : i32
    %mul3A_1 = arith.constant 640 : i32
    %mul3A_2 = arith.muli %arg1, %mul3A_1 : i32
    "tpu.region"() ({
      %run_scoped3A_39 = tpu.sem_alloc : memref<!tpu.dma_semaphore, #tpu.memory_space<semaphore_mem>>
      %dma_start3A_40 = arith.constant 0 : i32
      %dma_start3A_41 = tpu.memref_slice %arg13[%mul3A_2, %dma_start3A_40] : memref<10240x128xf32, #tpu.memory_space<vmem_shared>> -> memref<640x128xf32, #tpu.memory_space<vmem_shared>>
      tpu.enqueue_dma source(%arg5 : memref<640x128xf32, #tpu.memory_space<hbm>>) target(%dma_start3A_41 : memref<640x128xf32, #tpu.memory_space<vmem_shared>>) target_semaphore(%run_scoped3A_39 : memref<!tpu.dma_semaphore, #tpu.memory_space<semaphore_mem>>)
      %dma_wait3A = arith.constant 0 : i32
      %dma_wait3A_42 = tpu.memref_slice %arg13[%mul3A_2, %dma_wait3A] : memref<10240x128xf32, #tpu.memory_space<vmem_shared>> -> memref<640x128xf32, #tpu.memory_space<vmem_shared>>
      tpu.wait_dma2 semaphore(%run_scoped3A_39 : memref<!tpu.dma_semaphore, #tpu.memory_space<semaphore_mem>>) src(%arg5 : memref<640x128xf32, #tpu.memory_space<hbm>>) dst(%dma_wait3A_42 : memref<640x128xf32, #tpu.memory_space<vmem_shared>>)
      tpu.yield
    }) : () -> ()
    %barrier3A = arith.constant 0 : index
    tpu.barrier barrier_id(%barrier3A)
    %broadcast_in_dim3A = arith.constant 1.000000e+00 : f32
    %broadcast_in_dim3A_3 = vector.broadcast %broadcast_in_dim3A : f32 to vector<16xf32>
    %run_scoped3A = arith.constant 0 : i32
    "tpu.region"() ({
      %run_scoped3A_39 = tpu.sem_alloc : memref<!tpu.dma_semaphore, #tpu.memory_space<semaphore_mem>>
      %dma_start3A_40 = arith.constant 0 : i32
      %dma_start3A_41 = arith.constant 0 : i32
      %dma_start3A_42 = tpu.memref_slice %arg3[%add3A, %run_scoped3A, %dma_start3A_40, %dma_start3A_41] : memref<32x2x64x80xi32, #tpu.memory_space<hbm>> -> memref<1x1x64x80xi32, #tpu.memory_space<hbm>>
      %dma_start3A_43 = tpu.memref_squeeze %dma_start3A_42 : memref<1x1x64x80xi32, #tpu.memory_space<hbm>> -> memref<64x80xi32, #tpu.memory_space<hbm>>
      %dma_start3A_44 = arith.constant 0 : i32
      %dma_start3A_45 = arith.constant 0 : i32
      %dma_start3A_46 = tpu.memref_slice %arg3[%add3A, %run_scoped3A, %dma_start3A_44, %dma_start3A_45] : memref<32x2x64x80xi32, #tpu.memory_space<hbm>> -> memref<1x1x64x80xi32, #tpu.memory_space<hbm>>
      %dma_start3A_47 = tpu.memref_squeeze %dma_start3A_46 : memref<1x1x64x80xi32, #tpu.memory_space<hbm>> -> memref<64x80xi32, #tpu.memory_space<hbm>>
      tpu.enqueue_dma source(%dma_start3A_47 : memref<64x80xi32, #tpu.memory_space<hbm>>) target(%arg9 : memref<64x80xi32, #tpu.memory_space<vmem>>) target_semaphore(%run_scoped3A_39 : memref<!tpu.dma_semaphore, #tpu.memory_space<semaphore_mem>>)
      %dma_wait3A = arith.constant 0 : i32
      %dma_wait3A_48 = arith.constant 0 : i32
      %dma_wait3A_49 = tpu.memref_slice %arg3[%add3A, %run_scoped3A, %dma_wait3A, %dma_wait3A_48] : memref<32x2x64x80xi32, #tpu.memory_space<hbm>> -> memref<1x1x64x80xi32, #tpu.memory_space<hbm>>
      %dma_wait3A_50 = tpu.memref_squeeze %dma_wait3A_49 : memref<1x1x64x80xi32, #tpu.memory_space<hbm>> -> memref<64x80xi32, #tpu.memory_space<hbm>>
      %dma_wait3A_51 = arith.constant 0 : i32
      %dma_wait3A_52 = arith.constant 0 : i32
      %dma_wait3A_53 = tpu.memref_slice %arg3[%add3A, %run_scoped3A, %dma_wait3A_51, %dma_wait3A_52] : memref<32x2x64x80xi32, #tpu.memory_space<hbm>> -> memref<1x1x64x80xi32, #tpu.memory_space<hbm>>
      %dma_wait3A_54 = tpu.memref_squeeze %dma_wait3A_53 : memref<1x1x64x80xi32, #tpu.memory_space<hbm>> -> memref<64x80xi32, #tpu.memory_space<hbm>>
      tpu.wait_dma2 semaphore(%run_scoped3A_39 : memref<!tpu.dma_semaphore, #tpu.memory_space<semaphore_mem>>) src(%dma_wait3A_54 : memref<64x80xi32, #tpu.memory_space<hbm>>) dst(%arg9 : memref<64x80xi32, #tpu.memory_space<vmem>>)
      tpu.yield
    }) : () -> ()
    %run_scoped3A_4 = arith.constant 0 : i32
    "tpu.region"() ({
      %run_scoped3A_39 = tpu.sem_alloc : memref<!tpu.dma_semaphore, #tpu.memory_space<semaphore_mem>>
      %dma_start3A_40 = arith.constant 0 : i32
      %dma_start3A_41 = arith.constant 0 : i32
      %dma_start3A_42 = tpu.memref_slice %arg4[%add3A, %run_scoped3A_4, %dma_start3A_40, %dma_start3A_41] : memref<32x2x64x80xi32, #tpu.memory_space<hbm>> -> memref<1x1x64x80xi32, #tpu.memory_space<hbm>>
      %dma_start3A_43 = tpu.memref_squeeze %dma_start3A_42 : memref<1x1x64x80xi32, #tpu.memory_space<hbm>> -> memref<64x80xi32, #tpu.memory_space<hbm>>
      %dma_start3A_44 = arith.constant 0 : i32
      %dma_start3A_45 = arith.constant 0 : i32
      %dma_start3A_46 = tpu.memref_slice %arg4[%add3A, %run_scoped3A_4, %dma_start3A_44, %dma_start3A_45] : memref<32x2x64x80xi32, #tpu.memory_space<hbm>> -> memref<1x1x64x80xi32, #tpu.memory_space<hbm>>
      %dma_start3A_47 = tpu.memref_squeeze %dma_start3A_46 : memref<1x1x64x80xi32, #tpu.memory_space<hbm>> -> memref<64x80xi32, #tpu.memory_space<hbm>>
      tpu.enqueue_dma source(%dma_start3A_47 : memref<64x80xi32, #tpu.memory_space<hbm>>) target(%arg10 : memref<64x80xi32, #tpu.memory_space<vmem>>) target_semaphore(%run_scoped3A_39 : memref<!tpu.dma_semaphore, #tpu.memory_space<semaphore_mem>>)
      %dma_wait3A = arith.constant 0 : i32
      %dma_wait3A_48 = arith.constant 0 : i32
      %dma_wait3A_49 = tpu.memref_slice %arg4[%add3A, %run_scoped3A_4, %dma_wait3A, %dma_wait3A_48] : memref<32x2x64x80xi32, #tpu.memory_space<hbm>> -> memref<1x1x64x80xi32, #tpu.memory_space<hbm>>
      %dma_wait3A_50 = tpu.memref_squeeze %dma_wait3A_49 : memref<1x1x64x80xi32, #tpu.memory_space<hbm>> -> memref<64x80xi32, #tpu.memory_space<hbm>>
      %dma_wait3A_51 = arith.constant 0 : i32
      %dma_wait3A_52 = arith.constant 0 : i32
      %dma_wait3A_53 = tpu.memref_slice %arg4[%add3A, %run_scoped3A_4, %dma_wait3A_51, %dma_wait3A_52] : memref<32x2x64x80xi32, #tpu.memory_space<hbm>> -> memref<1x1x64x80xi32, #tpu.memory_space<hbm>>
      %dma_wait3A_54 = tpu.memref_squeeze %dma_wait3A_53 : memref<1x1x64x80xi32, #tpu.memory_space<hbm>> -> memref<64x80xi32, #tpu.memory_space<hbm>>
      tpu.wait_dma2 semaphore(%run_scoped3A_39 : memref<!tpu.dma_semaphore, #tpu.memory_space<semaphore_mem>>) src(%dma_wait3A_54 : memref<64x80xi32, #tpu.memory_space<hbm>>) dst(%arg10 : memref<64x80xi32, #tpu.memory_space<vmem>>)
      tpu.yield
    }) : () -> ()
    %dma_start3A = arith.constant 0 : i32
    %dma_start3A_5 = arith.constant 0 : i32
    %dma_start3A_6 = tpu.memref_slice %arg9[%dma_start3A, %dma_start3A_5] : memref<64x80xi32, #tpu.memory_space<vmem>> -> memref<1x80xi32, #tpu.memory_space<vmem>>
    %dma_start3A_7 = tpu.memref_squeeze %dma_start3A_6 : memref<1x80xi32, #tpu.memory_space<vmem>> -> memref<80xi32, #tpu.memory_space<vmem>>
    %dma_start3A_8 = arith.constant 0 : i32
    %dma_start3A_9 = arith.constant 0 : i32
    %dma_start3A_10 = tpu.memref_slice %arg2[%dma_start3A_8, %dma_start3A_9] : memref<5120x128xf32, #tpu.memory_space<hbm>> -> memref<5120x128xf32, #tpu.memory_space<hbm>>
    tpu.enqueue_indirect_dma source(%dma_start3A_10 : memref<5120x128xf32, #tpu.memory_space<hbm>>) target(%arg11 : memref<80x128xf32, #tpu.memory_space<vmem>>) offsets(%dma_start3A_7 : memref<80xi32, #tpu.memory_space<vmem>>) semaphore(%arg14 : memref<!tpu.dma_semaphore, #tpu.memory_space<semaphore_mem>>)
    %scan3A = arith.constant 0 : i32
    %scan3A_11 = arith.constant 0 : i32
    %scan3A_12 = arith.constant 32 : i32
    %scan3A_13 = arith.addi %scan3A_11, %scan3A_12 : i32
    %scan3A_14 = arith.constant 1 : i32
    scf.for %scan3A_39 = %scan3A_11 to %scan3A_13 step %scan3A_14  : i32 {
      %mul3A_40 = arith.constant 2 : i32
      %mul3A_41 = arith.muli %mul3A_40, %scan3A_39 : i32
      %mul3A_42 = arith.constant 2 : i32
      %mul3A_43 = arith.muli %mul3A_42, %scan3A_39 : i32
      %add3A_44 = arith.constant 1 : i32
      %add3A_45 = arith.addi %mul3A_43, %add3A_44 : i32
      %dma_wait3A = arith.constant 0 : i32
      %dma_wait3A_46 = tpu.memref_slice %arg9[%mul3A_41, %dma_wait3A] : memref<64x80xi32, #tpu.memory_space<vmem>> -> memref<1x80xi32, #tpu.memory_space<vmem>>
      %dma_wait3A_47 = tpu.memref_squeeze %dma_wait3A_46 : memref<1x80xi32, #tpu.memory_space<vmem>> -> memref<80xi32, #tpu.memory_space<vmem>>
      %dma_wait3A_48 = arith.constant 0 : i32
      %dma_wait3A_49 = arith.constant 0 : i32
      %dma_wait3A_50 = tpu.memref_slice %arg2[%dma_wait3A_48, %dma_wait3A_49] : memref<5120x128xf32, #tpu.memory_space<hbm>> -> memref<5120x128xf32, #tpu.memory_space<hbm>>
      tpu.wait_indirect_dma semaphore(%arg14 : memref<!tpu.dma_semaphore, #tpu.memory_space<semaphore_mem>>) src(%dma_wait3A_50 : memref<5120x128xf32, #tpu.memory_space<hbm>>) dst(%arg11 : memref<80x128xf32, #tpu.memory_space<vmem>>)
      %dma_start3A_51 = arith.constant 0 : i32
      %dma_start3A_52 = tpu.memref_slice %arg9[%add3A_45, %dma_start3A_51] : memref<64x80xi32, #tpu.memory_space<vmem>> -> memref<1x80xi32, #tpu.memory_space<vmem>>
      %dma_start3A_53 = tpu.memref_squeeze %dma_start3A_52 : memref<1x80xi32, #tpu.memory_space<vmem>> -> memref<80xi32, #tpu.memory_space<vmem>>
      %dma_start3A_54 = arith.constant 0 : i32
      %dma_start3A_55 = arith.constant 0 : i32
      %dma_start3A_56 = tpu.memref_slice %arg2[%dma_start3A_54, %dma_start3A_55] : memref<5120x128xf32, #tpu.memory_space<hbm>> -> memref<5120x128xf32, #tpu.memory_space<hbm>>
      tpu.enqueue_indirect_dma source(%dma_start3A_56 : memref<5120x128xf32, #tpu.memory_space<hbm>>) target(%arg12 : memref<80x128xf32, #tpu.memory_space<vmem>>) offsets(%dma_start3A_53 : memref<80xi32, #tpu.memory_space<vmem>>) semaphore(%arg15 : memref<!tpu.dma_semaphore, #tpu.memory_space<semaphore_mem>>)
      "tpu.region"() ({
        %run_scoped3A_67 = tpu.sem_alloc : memref<!tpu.dma_semaphore, #tpu.memory_space<semaphore_mem>>
        %dma_start3A_68 = arith.constant 0 : i32
        %dma_start3A_69 = tpu.memref_slice %arg10[%mul3A_41, %dma_start3A_68] : memref<64x80xi32, #tpu.memory_space<vmem>> -> memref<1x80xi32, #tpu.memory_space<vmem>>
        %dma_start3A_70 = tpu.memref_squeeze %dma_start3A_69 : memref<1x80xi32, #tpu.memory_space<vmem>> -> memref<80xi32, #tpu.memory_space<vmem>>
        %dma_start3A_71 = arith.constant 0 : i32
        %dma_start3A_72 = arith.constant 0 : i32
        %dma_start3A_73 = tpu.memref_slice %arg13[%dma_start3A_71, %dma_start3A_72] : memref<10240x128xf32, #tpu.memory_space<vmem_shared>> -> memref<10240x128xf32, #tpu.memory_space<vmem_shared>>
        tpu.enqueue_indirect_dma source(%arg11 : memref<80x128xf32, #tpu.memory_space<vmem>>) target(%dma_start3A_73 : memref<10240x128xf32, #tpu.memory_space<vmem_shared>>) offsets(%dma_start3A_70 : memref<80xi32, #tpu.memory_space<vmem>>) semaphore(%run_scoped3A_67 : memref<!tpu.dma_semaphore, #tpu.memory_space<semaphore_mem>>) {add = true}
        %dma_wait3A_74 = arith.constant 0 : i32
        %dma_wait3A_75 = tpu.memref_slice %arg10[%mul3A_41, %dma_wait3A_74] : memref<64x80xi32, #tpu.memory_space<vmem>> -> memref<1x80xi32, #tpu.memory_space<vmem>>
        %dma_wait3A_76 = tpu.memref_squeeze %dma_wait3A_75 : memref<1x80xi32, #tpu.memory_space<vmem>> -> memref<80xi32, #tpu.memory_space<vmem>>
        %dma_wait3A_77 = arith.constant 0 : i32
        %dma_wait3A_78 = arith.constant 0 : i32
        %dma_wait3A_79 = tpu.memref_slice %arg13[%dma_wait3A_77, %dma_wait3A_78] : memref<10240x128xf32, #tpu.memory_space<vmem_shared>> -> memref<10240x128xf32, #tpu.memory_space<vmem_shared>>
        tpu.wait_indirect_dma semaphore(%run_scoped3A_67 : memref<!tpu.dma_semaphore, #tpu.memory_space<semaphore_mem>>) src(%arg11 : memref<80x128xf32, #tpu.memory_space<vmem>>) dst(%dma_wait3A_79 : memref<10240x128xf32, #tpu.memory_space<vmem_shared>>)
        tpu.yield
      }) : () -> ()
      %dma_wait3A_57 = arith.constant 0 : i32
      %dma_wait3A_58 = tpu.memref_slice %arg9[%add3A_45, %dma_wait3A_57] : memref<64x80xi32, #tpu.memory_space<vmem>> -> memref<1x80xi32, #tpu.memory_space<vmem>>
      %dma_wait3A_59 = tpu.memref_squeeze %dma_wait3A_58 : memref<1x80xi32, #tpu.memory_space<vmem>> -> memref<80xi32, #tpu.memory_space<vmem>>
      %dma_wait3A_60 = arith.constant 0 : i32
      %dma_wait3A_61 = arith.constant 0 : i32
      %dma_wait3A_62 = tpu.memref_slice %arg2[%dma_wait3A_60, %dma_wait3A_61] : memref<5120x128xf32, #tpu.memory_space<hbm>> -> memref<5120x128xf32, #tpu.memory_space<hbm>>
      tpu.wait_indirect_dma semaphore(%arg15 : memref<!tpu.dma_semaphore, #tpu.memory_space<semaphore_mem>>) src(%dma_wait3A_62 : memref<5120x128xf32, #tpu.memory_space<hbm>>) dst(%arg12 : memref<80x128xf32, #tpu.memory_space<vmem>>)
      %add3A_63 = arith.constant 1 : i32
      %add3A_64 = arith.addi %scan3A_39, %add3A_63 : i32
      %lt3A = arith.constant 32 : i32
      %lt3A_65 = arith.cmpi slt, %add3A_64, %lt3A : i32
      %convert_element_type3A = arith.extui %lt3A_65 : i1 to i32
      %cond3A = arith.constant 0 : i32
      %cond3A_66 = arith.cmpi ne, %convert_element_type3A, %cond3A : i32
      scf.if %cond3A_66 {
        %add3A_67 = arith.constant 2 : i32
        %add3A_68 = arith.addi %mul3A_41, %add3A_67 : i32
        %dma_start3A_69 = arith.constant 0 : i32
        %dma_start3A_70 = tpu.memref_slice %arg9[%add3A_68, %dma_start3A_69] : memref<64x80xi32, #tpu.memory_space<vmem>> -> memref<1x80xi32, #tpu.memory_space<vmem>>
        %dma_start3A_71 = tpu.memref_squeeze %dma_start3A_70 : memref<1x80xi32, #tpu.memory_space<vmem>> -> memref<80xi32, #tpu.memory_space<vmem>>
        %dma_start3A_72 = arith.constant 0 : i32
        %dma_start3A_73 = arith.constant 0 : i32
        %dma_start3A_74 = tpu.memref_slice %arg2[%dma_start3A_72, %dma_start3A_73] : memref<5120x128xf32, #tpu.memory_space<hbm>> -> memref<5120x128xf32, #tpu.memory_space<hbm>>
        tpu.enqueue_indirect_dma source(%dma_start3A_74 : memref<5120x128xf32, #tpu.memory_space<hbm>>) target(%arg11 : memref<80x128xf32, #tpu.memory_space<vmem>>) offsets(%dma_start3A_71 : memref<80xi32, #tpu.memory_space<vmem>>) semaphore(%arg14 : memref<!tpu.dma_semaphore, #tpu.memory_space<semaphore_mem>>)
      } else {
      }
      "tpu.region"() ({
        %run_scoped3A_67 = tpu.sem_alloc : memref<!tpu.dma_semaphore, #tpu.memory_space<semaphore_mem>>
        %dma_start3A_68 = arith.constant 0 : i32
        %dma_start3A_69 = tpu.memref_slice %arg10[%add3A_45, %dma_start3A_68] : memref<64x80xi32, #tpu.memory_space<vmem>> -> memref<1x80xi32, #tpu.memory_space<vmem>>
        %dma_start3A_70 = tpu.memref_squeeze %dma_start3A_69 : memref<1x80xi32, #tpu.memory_space<vmem>> -> memref<80xi32, #tpu.memory_space<vmem>>
        %dma_start3A_71 = arith.constant 0 : i32
        %dma_start3A_72 = arith.constant 0 : i32
        %dma_start3A_73 = tpu.memref_slice %arg13[%dma_start3A_71, %dma_start3A_72] : memref<10240x128xf32, #tpu.memory_space<vmem_shared>> -> memref<10240x128xf32, #tpu.memory_space<vmem_shared>>
        tpu.enqueue_indirect_dma source(%arg12 : memref<80x128xf32, #tpu.memory_space<vmem>>) target(%dma_start3A_73 : memref<10240x128xf32, #tpu.memory_space<vmem_shared>>) offsets(%dma_start3A_70 : memref<80xi32, #tpu.memory_space<vmem>>) semaphore(%run_scoped3A_67 : memref<!tpu.dma_semaphore, #tpu.memory_space<semaphore_mem>>) {add = true}
        %dma_wait3A_74 = arith.constant 0 : i32
        %dma_wait3A_75 = tpu.memref_slice %arg10[%add3A_45, %dma_wait3A_74] : memref<64x80xi32, #tpu.memory_space<vmem>> -> memref<1x80xi32, #tpu.memory_space<vmem>>
        %dma_wait3A_76 = tpu.memref_squeeze %dma_wait3A_75 : memref<1x80xi32, #tpu.memory_space<vmem>> -> memref<80xi32, #tpu.memory_space<vmem>>
        %dma_wait3A_77 = arith.constant 0 : i32
        %dma_wait3A_78 = arith.constant 0 : i32
        %dma_wait3A_79 = tpu.memref_slice %arg13[%dma_wait3A_77, %dma_wait3A_78] : memref<10240x128xf32, #tpu.memory_space<vmem_shared>> -> memref<10240x128xf32, #tpu.memory_space<vmem_shared>>
        tpu.wait_indirect_dma semaphore(%run_scoped3A_67 : memref<!tpu.dma_semaphore, #tpu.memory_space<semaphore_mem>>) src(%arg12 : memref<80x128xf32, #tpu.memory_space<vmem>>) dst(%dma_wait3A_79 : memref<10240x128xf32, #tpu.memory_space<vmem_shared>>)
        tpu.yield
      }) : () -> ()
    }
    %scan3A_15 = arith.constant 32 : i32
    %run_scoped3A_16 = arith.constant 1 : i32
    "tpu.region"() ({
      %run_scoped3A_39 = tpu.sem_alloc : memref<!tpu.dma_semaphore, #tpu.memory_space<semaphore_mem>>
      %dma_start3A_40 = arith.constant 0 : i32
      %dma_start3A_41 = arith.constant 0 : i32
      %dma_start3A_42 = tpu.memref_slice %arg3[%add3A, %run_scoped3A_16, %dma_start3A_40, %dma_start3A_41] : memref<32x2x64x80xi32, #tpu.memory_space<hbm>> -> memref<1x1x64x80xi32, #tpu.memory_space<hbm>>
      %dma_start3A_43 = tpu.memref_squeeze %dma_start3A_42 : memref<1x1x64x80xi32, #tpu.memory_space<hbm>> -> memref<64x80xi32, #tpu.memory_space<hbm>>
      %dma_start3A_44 = arith.constant 0 : i32
      %dma_start3A_45 = arith.constant 0 : i32
      %dma_start3A_46 = tpu.memref_slice %arg3[%add3A, %run_scoped3A_16, %dma_start3A_44, %dma_start3A_45] : memref<32x2x64x80xi32, #tpu.memory_space<hbm>> -> memref<1x1x64x80xi32, #tpu.memory_space<hbm>>
      %dma_start3A_47 = tpu.memref_squeeze %dma_start3A_46 : memref<1x1x64x80xi32, #tpu.memory_space<hbm>> -> memref<64x80xi32, #tpu.memory_space<hbm>>
      tpu.enqueue_dma source(%dma_start3A_47 : memref<64x80xi32, #tpu.memory_space<hbm>>) target(%arg9 : memref<64x80xi32, #tpu.memory_space<vmem>>) target_semaphore(%run_scoped3A_39 : memref<!tpu.dma_semaphore, #tpu.memory_space<semaphore_mem>>)
      %dma_wait3A = arith.constant 0 : i32
      %dma_wait3A_48 = arith.constant 0 : i32
      %dma_wait3A_49 = tpu.memref_slice %arg3[%add3A, %run_scoped3A_16, %dma_wait3A, %dma_wait3A_48] : memref<32x2x64x80xi32, #tpu.memory_space<hbm>> -> memref<1x1x64x80xi32, #tpu.memory_space<hbm>>
      %dma_wait3A_50 = tpu.memref_squeeze %dma_wait3A_49 : memref<1x1x64x80xi32, #tpu.memory_space<hbm>> -> memref<64x80xi32, #tpu.memory_space<hbm>>
      %dma_wait3A_51 = arith.constant 0 : i32
      %dma_wait3A_52 = arith.constant 0 : i32
      %dma_wait3A_53 = tpu.memref_slice %arg3[%add3A, %run_scoped3A_16, %dma_wait3A_51, %dma_wait3A_52] : memref<32x2x64x80xi32, #tpu.memory_space<hbm>> -> memref<1x1x64x80xi32, #tpu.memory_space<hbm>>
      %dma_wait3A_54 = tpu.memref_squeeze %dma_wait3A_53 : memref<1x1x64x80xi32, #tpu.memory_space<hbm>> -> memref<64x80xi32, #tpu.memory_space<hbm>>
      tpu.wait_dma2 semaphore(%run_scoped3A_39 : memref<!tpu.dma_semaphore, #tpu.memory_space<semaphore_mem>>) src(%dma_wait3A_54 : memref<64x80xi32, #tpu.memory_space<hbm>>) dst(%arg9 : memref<64x80xi32, #tpu.memory_space<vmem>>)
      tpu.yield
    }) : () -> ()
    %run_scoped3A_17 = arith.constant 1 : i32
    "tpu.region"() ({
      %run_scoped3A_39 = tpu.sem_alloc : memref<!tpu.dma_semaphore, #tpu.memory_space<semaphore_mem>>
      %dma_start3A_40 = arith.constant 0 : i32
      %dma_start3A_41 = arith.constant 0 : i32
      %dma_start3A_42 = tpu.memref_slice %arg4[%add3A, %run_scoped3A_17, %dma_start3A_40, %dma_start3A_41] : memref<32x2x64x80xi32, #tpu.memory_space<hbm>> -> memref<1x1x64x80xi32, #tpu.memory_space<hbm>>
      %dma_start3A_43 = tpu.memref_squeeze %dma_start3A_42 : memref<1x1x64x80xi32, #tpu.memory_space<hbm>> -> memref<64x80xi32, #tpu.memory_space<hbm>>
      %dma_start3A_44 = arith.constant 0 : i32
      %dma_start3A_45 = arith.constant 0 : i32
      %dma_start3A_46 = tpu.memref_slice %arg4[%add3A, %run_scoped3A_17, %dma_start3A_44, %dma_start3A_45] : memref<32x2x64x80xi32, #tpu.memory_space<hbm>> -> memref<1x1x64x80xi32, #tpu.memory_space<hbm>>
      %dma_start3A_47 = tpu.memref_squeeze %dma_start3A_46 : memref<1x1x64x80xi32, #tpu.memory_space<hbm>> -> memref<64x80xi32, #tpu.memory_space<hbm>>
      tpu.enqueue_dma source(%dma_start3A_47 : memref<64x80xi32, #tpu.memory_space<hbm>>) target(%arg10 : memref<64x80xi32, #tpu.memory_space<vmem>>) target_semaphore(%run_scoped3A_39 : memref<!tpu.dma_semaphore, #tpu.memory_space<semaphore_mem>>)
      %dma_wait3A = arith.constant 0 : i32
      %dma_wait3A_48 = arith.constant 0 : i32
      %dma_wait3A_49 = tpu.memref_slice %arg4[%add3A, %run_scoped3A_17, %dma_wait3A, %dma_wait3A_48] : memref<32x2x64x80xi32, #tpu.memory_space<hbm>> -> memref<1x1x64x80xi32, #tpu.memory_space<hbm>>
      %dma_wait3A_50 = tpu.memref_squeeze %dma_wait3A_49 : memref<1x1x64x80xi32, #tpu.memory_space<hbm>> -> memref<64x80xi32, #tpu.memory_space<hbm>>
      %dma_wait3A_51 = arith.constant 0 : i32
      %dma_wait3A_52 = arith.constant 0 : i32
      %dma_wait3A_53 = tpu.memref_slice %arg4[%add3A, %run_scoped3A_17, %dma_wait3A_51, %dma_wait3A_52] : memref<32x2x64x80xi32, #tpu.memory_space<hbm>> -> memref<1x1x64x80xi32, #tpu.memory_space<hbm>>
      %dma_wait3A_54 = tpu.memref_squeeze %dma_wait3A_53 : memref<1x1x64x80xi32, #tpu.memory_space<hbm>> -> memref<64x80xi32, #tpu.memory_space<hbm>>
      tpu.wait_dma2 semaphore(%run_scoped3A_39 : memref<!tpu.dma_semaphore, #tpu.memory_space<semaphore_mem>>) src(%dma_wait3A_54 : memref<64x80xi32, #tpu.memory_space<hbm>>) dst(%arg10 : memref<64x80xi32, #tpu.memory_space<vmem>>)
      tpu.yield
    }) : () -> ()
    %dma_start3A_18 = arith.constant 0 : i32
    %dma_start3A_19 = arith.constant 0 : i32
    %dma_start3A_20 = tpu.memref_slice %arg9[%dma_start3A_18, %dma_start3A_19] : memref<64x80xi32, #tpu.memory_space<vmem>> -> memref<1x80xi32, #tpu.memory_space<vmem>>
    %dma_start3A_21 = tpu.memref_squeeze %dma_start3A_20 : memref<1x80xi32, #tpu.memory_space<vmem>> -> memref<80xi32, #tpu.memory_space<vmem>>
    %dma_start3A_22 = arith.constant 0 : i32
    %dma_start3A_23 = arith.constant 0 : i32
    %dma_start3A_24 = tpu.memref_slice %arg2[%dma_start3A_22, %dma_start3A_23] : memref<5120x128xf32, #tpu.memory_space<hbm>> -> memref<5120x128xf32, #tpu.memory_space<hbm>>
    tpu.enqueue_indirect_dma source(%dma_start3A_24 : memref<5120x128xf32, #tpu.memory_space<hbm>>) target(%arg11 : memref<80x128xf32, #tpu.memory_space<vmem>>) offsets(%dma_start3A_21 : memref<80xi32, #tpu.memory_space<vmem>>) semaphore(%arg14 : memref<!tpu.dma_semaphore, #tpu.memory_space<semaphore_mem>>)
    %scan3A_25 = arith.constant 0 : i32
    %scan3A_26 = arith.constant 0 : i32
    %scan3A_27 = arith.constant 32 : i32
    %scan3A_28 = arith.addi %scan3A_26, %scan3A_27 : i32
    %scan3A_29 = arith.constant 1 : i32
    scf.for %scan3A_39 = %scan3A_26 to %scan3A_28 step %scan3A_29  : i32 {
      %mul3A_40 = arith.constant 2 : i32
      %mul3A_41 = arith.muli %mul3A_40, %scan3A_39 : i32
      %mul3A_42 = arith.constant 2 : i32
      %mul3A_43 = arith.muli %mul3A_42, %scan3A_39 : i32
      %add3A_44 = arith.constant 1 : i32
      %add3A_45 = arith.addi %mul3A_43, %add3A_44 : i32
      %dma_wait3A = arith.constant 0 : i32
      %dma_wait3A_46 = tpu.memref_slice %arg9[%mul3A_41, %dma_wait3A] : memref<64x80xi32, #tpu.memory_space<vmem>> -> memref<1x80xi32, #tpu.memory_space<vmem>>
      %dma_wait3A_47 = tpu.memref_squeeze %dma_wait3A_46 : memref<1x80xi32, #tpu.memory_space<vmem>> -> memref<80xi32, #tpu.memory_space<vmem>>
      %dma_wait3A_48 = arith.constant 0 : i32
      %dma_wait3A_49 = arith.constant 0 : i32
      %dma_wait3A_50 = tpu.memref_slice %arg2[%dma_wait3A_48, %dma_wait3A_49] : memref<5120x128xf32, #tpu.memory_space<hbm>> -> memref<5120x128xf32, #tpu.memory_space<hbm>>
      tpu.wait_indirect_dma semaphore(%arg14 : memref<!tpu.dma_semaphore, #tpu.memory_space<semaphore_mem>>) src(%dma_wait3A_50 : memref<5120x128xf32, #tpu.memory_space<hbm>>) dst(%arg11 : memref<80x128xf32, #tpu.memory_space<vmem>>)
      %dma_start3A_51 = arith.constant 0 : i32
      %dma_start3A_52 = tpu.memref_slice %arg9[%add3A_45, %dma_start3A_51] : memref<64x80xi32, #tpu.memory_space<vmem>> -> memref<1x80xi32, #tpu.memory_space<vmem>>
      %dma_start3A_53 = tpu.memref_squeeze %dma_start3A_52 : memref<1x80xi32, #tpu.memory_space<vmem>> -> memref<80xi32, #tpu.memory_space<vmem>>
      %dma_start3A_54 = arith.constant 0 : i32
      %dma_start3A_55 = arith.constant 0 : i32
      %dma_start3A_56 = tpu.memref_slice %arg2[%dma_start3A_54, %dma_start3A_55] : memref<5120x128xf32, #tpu.memory_space<hbm>> -> memref<5120x128xf32, #tpu.memory_space<hbm>>
      tpu.enqueue_indirect_dma source(%dma_start3A_56 : memref<5120x128xf32, #tpu.memory_space<hbm>>) target(%arg12 : memref<80x128xf32, #tpu.memory_space<vmem>>) offsets(%dma_start3A_53 : memref<80xi32, #tpu.memory_space<vmem>>) semaphore(%arg15 : memref<!tpu.dma_semaphore, #tpu.memory_space<semaphore_mem>>)
      "tpu.region"() ({
        %run_scoped3A_67 = tpu.sem_alloc : memref<!tpu.dma_semaphore, #tpu.memory_space<semaphore_mem>>
        %dma_start3A_68 = arith.constant 0 : i32
        %dma_start3A_69 = tpu.memref_slice %arg10[%mul3A_41, %dma_start3A_68] : memref<64x80xi32, #tpu.memory_space<vmem>> -> memref<1x80xi32, #tpu.memory_space<vmem>>
        %dma_start3A_70 = tpu.memref_squeeze %dma_start3A_69 : memref<1x80xi32, #tpu.memory_space<vmem>> -> memref<80xi32, #tpu.memory_space<vmem>>
        %dma_start3A_71 = arith.constant 0 : i32
        %dma_start3A_72 = arith.constant 0 : i32
        %dma_start3A_73 = tpu.memref_slice %arg13[%dma_start3A_71, %dma_start3A_72] : memref<10240x128xf32, #tpu.memory_space<vmem_shared>> -> memref<10240x128xf32, #tpu.memory_space<vmem_shared>>
        tpu.enqueue_indirect_dma source(%arg11 : memref<80x128xf32, #tpu.memory_space<vmem>>) target(%dma_start3A_73 : memref<10240x128xf32, #tpu.memory_space<vmem_shared>>) offsets(%dma_start3A_70 : memref<80xi32, #tpu.memory_space<vmem>>) semaphore(%run_scoped3A_67 : memref<!tpu.dma_semaphore, #tpu.memory_space<semaphore_mem>>) {add = true}
        %dma_wait3A_74 = arith.constant 0 : i32
        %dma_wait3A_75 = tpu.memref_slice %arg10[%mul3A_41, %dma_wait3A_74] : memref<64x80xi32, #tpu.memory_space<vmem>> -> memref<1x80xi32, #tpu.memory_space<vmem>>
        %dma_wait3A_76 = tpu.memref_squeeze %dma_wait3A_75 : memref<1x80xi32, #tpu.memory_space<vmem>> -> memref<80xi32, #tpu.memory_space<vmem>>
        %dma_wait3A_77 = arith.constant 0 : i32
        %dma_wait3A_78 = arith.constant 0 : i32
        %dma_wait3A_79 = tpu.memref_slice %arg13[%dma_wait3A_77, %dma_wait3A_78] : memref<10240x128xf32, #tpu.memory_space<vmem_shared>> -> memref<10240x128xf32, #tpu.memory_space<vmem_shared>>
        tpu.wait_indirect_dma semaphore(%run_scoped3A_67 : memref<!tpu.dma_semaphore, #tpu.memory_space<semaphore_mem>>) src(%arg11 : memref<80x128xf32, #tpu.memory_space<vmem>>) dst(%dma_wait3A_79 : memref<10240x128xf32, #tpu.memory_space<vmem_shared>>)
        tpu.yield
      }) : () -> ()
      %dma_wait3A_57 = arith.constant 0 : i32
      %dma_wait3A_58 = tpu.memref_slice %arg9[%add3A_45, %dma_wait3A_57] : memref<64x80xi32, #tpu.memory_space<vmem>> -> memref<1x80xi32, #tpu.memory_space<vmem>>
      %dma_wait3A_59 = tpu.memref_squeeze %dma_wait3A_58 : memref<1x80xi32, #tpu.memory_space<vmem>> -> memref<80xi32, #tpu.memory_space<vmem>>
      %dma_wait3A_60 = arith.constant 0 : i32
      %dma_wait3A_61 = arith.constant 0 : i32
      %dma_wait3A_62 = tpu.memref_slice %arg2[%dma_wait3A_60, %dma_wait3A_61] : memref<5120x128xf32, #tpu.memory_space<hbm>> -> memref<5120x128xf32, #tpu.memory_space<hbm>>
      tpu.wait_indirect_dma semaphore(%arg15 : memref<!tpu.dma_semaphore, #tpu.memory_space<semaphore_mem>>) src(%dma_wait3A_62 : memref<5120x128xf32, #tpu.memory_space<hbm>>) dst(%arg12 : memref<80x128xf32, #tpu.memory_space<vmem>>)
      %add3A_63 = arith.constant 1 : i32
      %add3A_64 = arith.addi %scan3A_39, %add3A_63 : i32
      %lt3A = arith.constant 32 : i32
      %lt3A_65 = arith.cmpi slt, %add3A_64, %lt3A : i32
      %convert_element_type3A = arith.extui %lt3A_65 : i1 to i32
      %cond3A = arith.constant 0 : i32
      %cond3A_66 = arith.cmpi ne, %convert_element_type3A, %cond3A : i32
      scf.if %cond3A_66 {
        %add3A_67 = arith.constant 2 : i32
        %add3A_68 = arith.addi %mul3A_41, %add3A_67 : i32
        %dma_start3A_69 = arith.constant 0 : i32
        %dma_start3A_70 = tpu.memref_slice %arg9[%add3A_68, %dma_start3A_69] : memref<64x80xi32, #tpu.memory_space<vmem>> -> memref<1x80xi32, #tpu.memory_space<vmem>>
        %dma_start3A_71 = tpu.memref_squeeze %dma_start3A_70 : memref<1x80xi32, #tpu.memory_space<vmem>> -> memref<80xi32, #tpu.memory_space<vmem>>
        %dma_start3A_72 = arith.constant 0 : i32
        %dma_start3A_73 = arith.constant 0 : i32
        %dma_start3A_74 = tpu.memref_slice %arg2[%dma_start3A_72, %dma_start3A_73] : memref<5120x128xf32, #tpu.memory_space<hbm>> -> memref<5120x128xf32, #tpu.memory_space<hbm>>
        tpu.enqueue_indirect_dma source(%dma_start3A_74 : memref<5120x128xf32, #tpu.memory_space<hbm>>) target(%arg11 : memref<80x128xf32, #tpu.memory_space<vmem>>) offsets(%dma_start3A_71 : memref<80xi32, #tpu.memory_space<vmem>>) semaphore(%arg14 : memref<!tpu.dma_semaphore, #tpu.memory_space<semaphore_mem>>)
      } else {
      }
      "tpu.region"() ({
        %run_scoped3A_67 = tpu.sem_alloc : memref<!tpu.dma_semaphore, #tpu.memory_space<semaphore_mem>>
        %dma_start3A_68 = arith.constant 0 : i32
        %dma_start3A_69 = tpu.memref_slice %arg10[%add3A_45, %dma_start3A_68] : memref<64x80xi32, #tpu.memory_space<vmem>> -> memref<1x80xi32, #tpu.memory_space<vmem>>
        %dma_start3A_70 = tpu.memref_squeeze %dma_start3A_69 : memref<1x80xi32, #tpu.memory_space<vmem>> -> memref<80xi32, #tpu.memory_space<vmem>>
        %dma_start3A_71 = arith.constant 0 : i32
        %dma_start3A_72 = arith.constant 0 : i32
        %dma_start3A_73 = tpu.memref_slice %arg13[%dma_start3A_71, %dma_start3A_72] : memref<10240x128xf32, #tpu.memory_space<vmem_shared>> -> memref<10240x128xf32, #tpu.memory_space<vmem_shared>>
        tpu.enqueue_indirect_dma source(%arg12 : memref<80x128xf32, #tpu.memory_space<vmem>>) target(%dma_start3A_73 : memref<10240x128xf32, #tpu.memory_space<vmem_shared>>) offsets(%dma_start3A_70 : memref<80xi32, #tpu.memory_space<vmem>>) semaphore(%run_scoped3A_67 : memref<!tpu.dma_semaphore, #tpu.memory_space<semaphore_mem>>) {add = true}
        %dma_wait3A_74 = arith.constant 0 : i32
        %dma_wait3A_75 = tpu.memref_slice %arg10[%add3A_45, %dma_wait3A_74] : memref<64x80xi32, #tpu.memory_space<vmem>> -> memref<1x80xi32, #tpu.memory_space<vmem>>
        %dma_wait3A_76 = tpu.memref_squeeze %dma_wait3A_75 : memref<1x80xi32, #tpu.memory_space<vmem>> -> memref<80xi32, #tpu.memory_space<vmem>>
        %dma_wait3A_77 = arith.constant 0 : i32
        %dma_wait3A_78 = arith.constant 0 : i32
        %dma_wait3A_79 = tpu.memref_slice %arg13[%dma_wait3A_77, %dma_wait3A_78] : memref<10240x128xf32, #tpu.memory_space<vmem_shared>> -> memref<10240x128xf32, #tpu.memory_space<vmem_shared>>
        tpu.wait_indirect_dma semaphore(%run_scoped3A_67 : memref<!tpu.dma_semaphore, #tpu.memory_space<semaphore_mem>>) src(%arg12 : memref<80x128xf32, #tpu.memory_space<vmem>>) dst(%dma_wait3A_79 : memref<10240x128xf32, #tpu.memory_space<vmem_shared>>)
        tpu.yield
      }) : () -> ()
    }
    %scan3A_30 = arith.constant 32 : i32
    %barrier3A_31 = arith.constant 0 : index
    tpu.barrier barrier_id(%barrier3A_31)
    %mul3A_32 = arith.constant 10240 : i32
    %mul3A_33 = arith.muli %arg0, %mul3A_32 : i32
    %mul3A_34 = arith.constant 640 : i32
    %mul3A_35 = arith.muli %arg1, %mul3A_34 : i32
    %add3A_36 = arith.addi %mul3A_33, %mul3A_35 : i32
    %mul3A_37 = arith.constant 640 : i32
    %mul3A_38 = arith.muli %arg1, %mul3A_37 : i32
    "tpu.region"() ({
      %run_scoped3A_39 = tpu.sem_alloc : memref<!tpu.dma_semaphore, #tpu.memory_space<semaphore_mem>>
      %dma_start3A_40 = arith.constant 0 : i32
      %dma_start3A_41 = tpu.memref_slice %arg8[%add3A_36, %dma_start3A_40] : memref<20480x128xf32, #tpu.memory_space<hbm>> -> memref<640x128xf32, #tpu.memory_space<hbm>>
      %dma_start3A_42 = arith.constant 0 : i32
      %dma_start3A_43 = tpu.memref_slice %arg13[%mul3A_38, %dma_start3A_42] : memref<10240x128xf32, #tpu.memory_space<vmem_shared>> -> memref<640x128xf32, #tpu.memory_space<vmem_shared>>
      tpu.enqueue_dma source(%dma_start3A_43 : memref<640x128xf32, #tpu.memory_space<vmem_shared>>) target(%dma_start3A_41 : memref<640x128xf32, #tpu.memory_space<hbm>>) target_semaphore(%run_scoped3A_39 : memref<!tpu.dma_semaphore, #tpu.memory_space<semaphore_mem>>)
      %dma_wait3A = arith.constant 0 : i32
      %dma_wait3A_44 = tpu.memref_slice %arg8[%add3A_36, %dma_wait3A] : memref<20480x128xf32, #tpu.memory_space<hbm>> -> memref<640x128xf32, #tpu.memory_space<hbm>>
      %dma_wait3A_45 = arith.constant 0 : i32
      %dma_wait3A_46 = tpu.memref_slice %arg13[%mul3A_38, %dma_wait3A_45] : memref<10240x128xf32, #tpu.memory_space<vmem_shared>> -> memref<640x128xf32, #tpu.memory_space<vmem_shared>>
      tpu.wait_dma2 semaphore(%run_scoped3A_39 : memref<!tpu.dma_semaphore, #tpu.memory_space<semaphore_mem>>) src(%dma_wait3A_46 : memref<640x128xf32, #tpu.memory_space<vmem_shared>>) dst(%dma_wait3A_44 : memref<640x128xf32, #tpu.memory_space<hbm>>)
      tpu.yield
    }) : () -> ()
    return
  }
}

module attributes {stable_mosaic.version = 14 : i64} {
  func.func @_tc1_body(%arg0: i32, %arg1: memref<640x128xf32, #tpu.memory_space<vmem>>, %arg2: memref<640x128xf32, #tpu.memory_space<vmem>>, %arg3: memref<32x640xf32, #tpu.memory_space<vmem>>, %arg4: memref<128x128xf32, #tpu.memory_space<vmem>>, %arg5: memref<1x128xf32, #tpu.memory_space<vmem>>, %arg6: memref<640x128xf32, #tpu.memory_space<vmem>>) attributes {dimension_semantics = [#tpu.dimension_semantics<arbitrary>], iteration_bounds = array<i64: 8>, scalar_prefetch = 0 : i64, scratch_operands = 0 : i64, tpu.core_type = #tpu.core_type<tc>, window_params = [{transform_indices = @transform_0, window_bounds = array<i64: 640, 128>}, {transform_indices = @transform_1, window_bounds = array<i64: 640, 128>}, {transform_indices = @transform_2, window_bounds = array<i64: 32, 640>}, {pipeline_mode = #tpu.pipeline_mode<synchronous>, transform_indices = @transform_3, window_bounds = array<i64: 128, 128>}, {pipeline_mode = #tpu.pipeline_mode<synchronous>, transform_indices = @transform_4, window_bounds = array<i64: 1, 128>}, {transform_indices = @transform_5, window_bounds = array<i64: 640, 128>}]} {
    %get3A = arith.constant 0 : index
    %get3A_0 = arith.constant 0 : index
    %get3A_1 = vector.load %arg3[%get3A, %get3A_0] : memref<32x640xf32, #tpu.memory_space<vmem>>, vector<32x640xf32>
    %reduce_sum3A = arith.constant dense<0.000000e+00> : vector<640xf32>
    %reduce_sum3A_2 = vector.multi_reduction <add>, %get3A_1, %reduce_sum3A [0] : vector<32x640xf32> to vector<640xf32>
    %broadcast_in_dim3A = vector.shape_cast %reduce_sum3A_2 : vector<640xf32> to vector<640x1xf32>
    %get3A_3 = arith.constant 0 : index
    %get3A_4 = arith.constant 0 : index
    %get3A_5 = vector.load %arg1[%get3A_3, %get3A_4] : memref<640x128xf32, #tpu.memory_space<vmem>>, vector<640x128xf32>
    %get3A_6 = arith.constant 0 : index
    %get3A_7 = arith.constant 0 : index
    %get3A_8 = vector.load %arg2[%get3A_6, %get3A_7] : memref<640x128xf32, #tpu.memory_space<vmem>>, vector<640x128xf32>
    %add3A = arith.addf %get3A_5, %get3A_8 : vector<640x128xf32>
    %max3A = arith.constant 1.000000e+00 : f32
    %max3A_9 = vector.broadcast %max3A : f32 to vector<640x1xf32>
    %max3A_10 = arith.maximumf %broadcast_in_dim3A, %max3A_9 : vector<640x1xf32>
    %div3A = vector.broadcast %max3A_10 : vector<640x1xf32> to vector<640x128xf32>
    %div3A_11 = arith.divf %add3A, %div3A : vector<640x128xf32>
    %get3A_12 = arith.constant 0 : index
    %get3A_13 = arith.constant 0 : index
    %get3A_14 = vector.load %arg4[%get3A_12, %get3A_13] : memref<128x128xf32, #tpu.memory_space<vmem>>, vector<128x128xf32>
    %dot_general3A = arith.constant dense<0.000000e+00> : vector<640x128xf32>
    %dot_general3A_15 = tpu.matmul %div3A_11, %get3A_14, %dot_general3A {dimension_numbers = #tpu.dot_dimension_numbers<[1], [0], [0], [1], [0, 0, 1, 1], [], []>, transpose_lhs_hint = false} : vector<640x128xf32>, vector<128x128xf32>, vector<640x128xf32> -> vector<640x128xf32>
    %get3A_16 = arith.constant 0 : index
    %get3A_17 = arith.constant 0 : index
    %get3A_18 = vector.load %arg5[%get3A_16, %get3A_17] : memref<1x128xf32, #tpu.memory_space<vmem>>, vector<1x128xf32>
    %add3A_19 = vector.broadcast %get3A_18 : vector<1x128xf32> to vector<640x128xf32>
    %add3A_20 = arith.addf %dot_general3A_15, %add3A_19 : vector<640x128xf32>
    %max3A_21 = arith.constant 0.000000e+00 : f32
    %max3A_22 = vector.broadcast %max3A_21 : f32 to vector<640x128xf32>
    %max3A_23 = arith.maximumf %add3A_20, %max3A_22 : vector<640x128xf32>
    %swap3A = arith.constant 0 : index
    %swap3A_24 = arith.constant 0 : index
    %swap3A_25 = vector.load %arg6[%swap3A, %swap3A_24] : memref<640x128xf32, #tpu.memory_space<vmem>>, vector<640x128xf32>
    tpu.vector_store %arg6[%swap3A, %swap3A_24], %max3A_23 {strides = array<i32>} : memref<640x128xf32, #tpu.memory_space<vmem>>, vector<640x128xf32>,
    return
  }
  func.func @transform_0(%arg0: i32) -> (i32, i32) {
    %c0_i32 = arith.constant 0 : i32
    %c0_i32_0 = arith.constant 0 : i32
    return %arg0, %c0_i32 : i32, i32
  }
  func.func @transform_1(%arg0: i32) -> (i32, i32) {
    %add3A = arith.constant 8 : i32
    %add3A_0 = arith.addi %arg0, %add3A : i32
    %c0_i32 = arith.constant 0 : i32
    %c0_i32_1 = arith.constant 0 : i32
    return %add3A_0, %c0_i32 : i32, i32
  }
  func.func @transform_2(%arg0: i32) -> (i32, i32) {
    %c0_i32 = arith.constant 0 : i32
    %c0_i32_0 = arith.constant 0 : i32
    return %c0_i32, %arg0 : i32, i32
  }
  func.func @transform_3(%arg0: i32) -> (i32, i32) {
    %c0_i32 = arith.constant 0 : i32
    %c0_i32_0 = arith.constant 0 : i32
    %c0_i32_1 = arith.constant 0 : i32
    return %c0_i32, %c0_i32_0 : i32, i32
  }
  func.func @transform_4(%arg0: i32) -> (i32, i32) {
    %c0_i32 = arith.constant 0 : i32
    %c0_i32_0 = arith.constant 0 : i32
    %c0_i32_1 = arith.constant 0 : i32
    return %c0_i32, %c0_i32_0 : i32, i32
  }
  func.func @transform_5(%arg0: i32) -> (i32, i32) {
    %c0_i32 = arith.constant 0 : i32
    %c0_i32_0 = arith.constant 0 : i32
    return %arg0, %c0_i32 : i32, i32
  }
}

module attributes {stable_mosaic.version = 14 : i64} {
  func.func @_tc2_body(%arg0: i32, %arg1: memref<640x128xf32, #tpu.memory_space<vmem>>, %arg2: memref<640x128xf32, #tpu.memory_space<vmem>>, %arg3: memref<32x640xf32, #tpu.memory_space<vmem>>, %arg4: memref<640x128xf32, #tpu.memory_space<vmem>>, %arg5: memref<128x128xf32, #tpu.memory_space<vmem>>, %arg6: memref<1x128xf32, #tpu.memory_space<vmem>>, %arg7: memref<1x128xf32, #tpu.memory_space<vmem>>, %arg8: memref<1x128xf32, #tpu.memory_space<vmem>>, %arg9: memref<640x128xf32, #tpu.memory_space<vmem>>) attributes {dimension_semantics = [#tpu.dimension_semantics<arbitrary>], iteration_bounds = array<i64: 16>, scalar_prefetch = 0 : i64, scratch_operands = 0 : i64, tpu.core_type = #tpu.core_type<tc>, window_params = [{transform_indices = @transform_0, window_bounds = array<i64: 640, 128>}, {transform_indices = @transform_1, window_bounds = array<i64: 640, 128>}, {transform_indices = @transform_2, window_bounds = array<i64: 32, 640>}, {transform_indices = @transform_3, window_bounds = array<i64: 640, 128>}, {pipeline_mode = #tpu.pipeline_mode<synchronous>, transform_indices = @transform_4, window_bounds = array<i64: 128, 128>}, {pipeline_mode = #tpu.pipeline_mode<synchronous>, transform_indices = @transform_5, window_bounds = array<i64: 1, 128>}, {pipeline_mode = #tpu.pipeline_mode<synchronous>, transform_indices = @transform_6, window_bounds = array<i64: 1, 128>}, {pipeline_mode = #tpu.pipeline_mode<synchronous>, transform_indices = @transform_7, window_bounds = array<i64: 1, 128>}, {transform_indices = @transform_8, window_bounds = array<i64: 640, 128>}]} {
    %get3A = arith.constant 0 : index
    %get3A_0 = arith.constant 0 : index
    %get3A_1 = vector.load %arg3[%get3A, %get3A_0] : memref<32x640xf32, #tpu.memory_space<vmem>>, vector<32x640xf32>
    %reduce_sum3A = arith.constant dense<0.000000e+00> : vector<640xf32>
    %reduce_sum3A_2 = vector.multi_reduction <add>, %get3A_1, %reduce_sum3A [0] : vector<32x640xf32> to vector<640xf32>
    %broadcast_in_dim3A = vector.shape_cast %reduce_sum3A_2 : vector<640xf32> to vector<640x1xf32>
    %get3A_3 = arith.constant 0 : index
    %get3A_4 = arith.constant 0 : index
    %get3A_5 = vector.load %arg1[%get3A_3, %get3A_4] : memref<640x128xf32, #tpu.memory_space<vmem>>, vector<640x128xf32>
    %get3A_6 = arith.constant 0 : index
    %get3A_7 = arith.constant 0 : index
    %get3A_8 = vector.load %arg2[%get3A_6, %get3A_7] : memref<640x128xf32, #tpu.memory_space<vmem>>, vector<640x128xf32>
    %add3A = arith.addf %get3A_5, %get3A_8 : vector<640x128xf32>
    %max3A = arith.constant 1.000000e+00 : f32
    %max3A_9 = vector.broadcast %max3A : f32 to vector<640x1xf32>
    %max3A_10 = arith.maximumf %broadcast_in_dim3A, %max3A_9 : vector<640x1xf32>
    %div3A = vector.broadcast %max3A_10 : vector<640x1xf32> to vector<640x128xf32>
    %div3A_11 = arith.divf %add3A, %div3A : vector<640x128xf32>
    %get3A_12 = arith.constant 0 : index
    %get3A_13 = arith.constant 0 : index
    %get3A_14 = vector.load %arg5[%get3A_12, %get3A_13] : memref<128x128xf32, #tpu.memory_space<vmem>>, vector<128x128xf32>
    %dot_general3A = arith.constant dense<0.000000e+00> : vector<640x128xf32>
    %dot_general3A_15 = tpu.matmul %div3A_11, %get3A_14, %dot_general3A {dimension_numbers = #tpu.dot_dimension_numbers<[1], [0], [0], [1], [0, 0, 1, 1], [], []>, transpose_lhs_hint = false} : vector<640x128xf32>, vector<128x128xf32>, vector<640x128xf32> -> vector<640x128xf32>
    %get3A_16 = arith.constant 0 : index
    %get3A_17 = arith.constant 0 : index
    %get3A_18 = vector.load %arg6[%get3A_16, %get3A_17] : memref<1x128xf32, #tpu.memory_space<vmem>>, vector<1x128xf32>
    %add3A_19 = vector.broadcast %get3A_18 : vector<1x128xf32> to vector<640x128xf32>
    %add3A_20 = arith.addf %dot_general3A_15, %add3A_19 : vector<640x128xf32>
    %get3A_21 = arith.constant 0 : index
    %get3A_22 = arith.constant 0 : index
    %get3A_23 = vector.load %arg4[%get3A_21, %get3A_22] : memref<640x128xf32, #tpu.memory_space<vmem>>, vector<640x128xf32>
    %add3A_24 = arith.addf %add3A_20, %get3A_23 : vector<640x128xf32>
    %reduce_sum3A_25 = arith.constant dense<0.000000e+00> : vector<640xf32>
    %reduce_sum3A_26 = vector.multi_reduction <add>, %add3A_24, %reduce_sum3A_25 [1] : vector<640x128xf32> to vector<640xf32>
    %broadcast_in_dim3A_27 = vector.shape_cast %reduce_sum3A_26 : vector<640xf32> to vector<640x1xf32>
    %div3A_28 = arith.constant 1.280000e+02 : f32
    %div3A_29 = vector.broadcast %div3A_28 : f32 to vector<640x1xf32>
    %div3A_30 = arith.divf %broadcast_in_dim3A_27, %div3A_29 : vector<640x1xf32>
    %sub3A = vector.broadcast %div3A_30 : vector<640x1xf32> to vector<640x128xf32>
    %sub3A_31 = arith.subf %add3A_24, %sub3A : vector<640x128xf32>
    %integer_pow3A = arith.mulf %sub3A_31, %sub3A_31 : vector<640x128xf32>
    %reduce_sum3A_32 = arith.constant dense<0.000000e+00> : vector<640xf32>
    %reduce_sum3A_33 = vector.multi_reduction <add>, %integer_pow3A, %reduce_sum3A_32 [1] : vector<640x128xf32> to vector<640xf32>
    %broadcast_in_dim3A_34 = vector.shape_cast %reduce_sum3A_33 : vector<640xf32> to vector<640x1xf32>
    %div3A_35 = arith.constant 1.280000e+02 : f32
    %div3A_36 = vector.broadcast %div3A_35 : f32 to vector<640x1xf32>
    %div3A_37 = arith.divf %broadcast_in_dim3A_34, %div3A_36 : vector<640x1xf32>
    %sub3A_38 = vector.broadcast %div3A_30 : vector<640x1xf32> to vector<640x128xf32>
    %sub3A_39 = arith.subf %add3A_24, %sub3A_38 : vector<640x128xf32>
    %add3A_40 = arith.constant 9.99999974E-6 : f32
    %add3A_41 = vector.broadcast %add3A_40 : f32 to vector<640x1xf32>
    %add3A_42 = arith.addf %div3A_37, %add3A_41 : vector<640x1xf32>
    %rsqrt3A = math.rsqrt %add3A_42 : vector<640x1xf32>
    %mul3A = vector.broadcast %rsqrt3A : vector<640x1xf32> to vector<640x128xf32>
    %mul3A_43 = arith.mulf %sub3A_39, %mul3A : vector<640x128xf32>
    %get3A_44 = arith.constant 0 : index
    %get3A_45 = arith.constant 0 : index
    %get3A_46 = vector.load %arg7[%get3A_44, %get3A_45] : memref<1x128xf32, #tpu.memory_space<vmem>>, vector<1x128xf32>
    %mul3A_47 = vector.broadcast %get3A_46 : vector<1x128xf32> to vector<640x128xf32>
    %mul3A_48 = arith.mulf %mul3A_43, %mul3A_47 : vector<640x128xf32>
    %get3A_49 = arith.constant 0 : index
    %get3A_50 = arith.constant 0 : index
    %get3A_51 = vector.load %arg8[%get3A_49, %get3A_50] : memref<1x128xf32, #tpu.memory_space<vmem>>, vector<1x128xf32>
    %add3A_52 = vector.broadcast %get3A_51 : vector<1x128xf32> to vector<640x128xf32>
    %add3A_53 = arith.addf %mul3A_48, %add3A_52 : vector<640x128xf32>
    %max3A_54 = arith.constant 0.000000e+00 : f32
    %max3A_55 = vector.broadcast %max3A_54 : f32 to vector<640x128xf32>
    %max3A_56 = arith.maximumf %add3A_53, %max3A_55 : vector<640x128xf32>
    %swap3A = arith.constant 0 : index
    %swap3A_57 = arith.constant 0 : index
    %swap3A_58 = vector.load %arg9[%swap3A, %swap3A_57] : memref<640x128xf32, #tpu.memory_space<vmem>>, vector<640x128xf32>
    tpu.vector_store %arg9[%swap3A, %swap3A_57], %max3A_56 {strides = array<i32>} : memref<640x128xf32, #tpu.memory_space<vmem>>, vector<640x128xf32>,
    return
  }
  func.func @transform_0(%arg0: i32) -> (i32, i32) {
    %c0_i32 = arith.constant 0 : i32
    %c0_i32_0 = arith.constant 0 : i32
    return %arg0, %c0_i32 : i32, i32
  }
  func.func @transform_1(%arg0: i32) -> (i32, i32) {
    %add3A = arith.constant 16 : i32
    %add3A_0 = arith.addi %arg0, %add3A : i32
    %c0_i32 = arith.constant 0 : i32
    %c0_i32_1 = arith.constant 0 : i32
    return %add3A_0, %c0_i32 : i32, i32
  }
  func.func @transform_2(%arg0: i32) -> (i32, i32) {
    %c0_i32 = arith.constant 0 : i32
    %c0_i32_0 = arith.constant 0 : i32
    return %c0_i32, %arg0 : i32, i32
  }
  func.func @transform_3(%arg0: i32) -> (i32, i32) {
    %c0_i32 = arith.constant 0 : i32
    %c0_i32_0 = arith.constant 0 : i32
    return %arg0, %c0_i32 : i32, i32
  }
  func.func @transform_4(%arg0: i32) -> (i32, i32) {
    %c0_i32 = arith.constant 0 : i32
    %c0_i32_0 = arith.constant 0 : i32
    %c0_i32_1 = arith.constant 0 : i32
    return %c0_i32, %c0_i32_0 : i32, i32
  }
  func.func @transform_5(%arg0: i32) -> (i32, i32) {
    %c0_i32 = arith.constant 0 : i32
    %c0_i32_0 = arith.constant 0 : i32
    %c0_i32_1 = arith.constant 0 : i32
    return %c0_i32, %c0_i32_0 : i32, i32
  }
  func.func @transform_6(%arg0: i32) -> (i32, i32) {
    %c0_i32 = arith.constant 0 : i32
    %c0_i32_0 = arith.constant 0 : i32
    %c0_i32_1 = arith.constant 0 : i32
    return %c0_i32, %c0_i32_0 : i32, i32
  }
  func.func @transform_7(%arg0: i32) -> (i32, i32) {
    %c0_i32 = arith.constant 0 : i32
    %c0_i32_0 = arith.constant 0 : i32
    %c0_i32_1 = arith.constant 0 : i32
    return %c0_i32, %c0_i32_0 : i32, i32
  }
  func.func @transform_8(%arg0: i32) -> (i32, i32) {
    %c0_i32 = arith.constant 0 : i32
    %c0_i32_0 = arith.constant 0 : i32
    return %arg0, %c0_i32 : i32, i32
  }
}

</mosaic_0001>

<sc_bundles>
// kernel: kernel.6.cloned.1.call-start
scs
__scs_entry_jumppad:
0x0: {  	(pc) =	sbr.rel $0x88, $3  }
0x1: {  	(tag) =	ssettag $0x0;
	lr =	simm.s32 $0x1  }
0x2: {  	[smem:$0x3F98] =	sst lr;
	_ =	strace $0xD0000000  }
0x3: {  	_ = 	snop  }
0x4: {  	_ = 	snop  }
0x5: {  	_ = 	snop  }
0x6: {  	_ = 	snop  }
0x7: {  	_ = 	snop  }
__scs_overlays_trampoline_lowered:
0x8: {  	[smem:$0x3FA7] =	sst s0  }
0x9: {  	[smem:$0x3FA8] =	sst s1  }
0xa: {  	[smem:$0x3FA9] =	sst s2  }
0xb: {  	[smem:$0x3FAA] =	sst s3  }
0xc: {  	[smem:$0x3FAB] =	sst s4  }
0xd: {  	[smem:$0x3FAC] =	sst s5  }
0xe: {  	[smem:$0x3FAD] =	sst s6  }
0xf: {  	[smem:$0x3FAE] =	sst s7  }
0x10: {  	[smem:$0x3FAF] =	sst s8  }
0x11: {  	[smem:$0x3FB0] =	sst s9;
	s0 =	simm.s32 @!p0 $0x0  }
0x12: {  	s1 =	sld [smem:$0x3F96];
	s0 =	simm.s32 @p0 $0x1  }
0x13: {  	[smem:$0x3FB1] =	sst s0;
	s0 =	simm.s32 @!p1 $0x0  }
0x14: {  	s2 =	sld [smem:$0x3F95];
	s0 =	simm.s32 @p1 $0x1  }
0x15: {  	[smem:$0x3FB2] =	sst s0;
	s0 =	simm.s32 @!p2 $0x0  }
0x16: {  	s3 =	sld [smem:$0x3FDB];
	s0 =	simm.s32 @p2 $0x1  }
0x17: {  	s4 =	simm.s32 $0x1BF5;
	[smem:$0x3FB4] =	sst s0  }
0x18: {  	s0 =	sld [smem:$0x3F97];
	_ =	swait.ge [sflag:s4], $0x0  }
0x19: {  	s7 =	sld [smem:$0x3F98]  }
0x1a: {  	s8 =	sadd.s32 $0xFFFFE003, lr  }
0x1b: {  	s9 =	sadd.s32 $0xFFFFFEF7, lr;
	s5 =	simm.s32 $0xFFFFFFFF;
	p2 =	slt.u32 s8, $0xFFFFF086  }
0x1c: {  	p1 =	slt.u32 s9, $0xF7A;
	s5 =	simm.s32 @!p2 $0x0  }
0x1d: {  	s5 =	simm.s32 @p1 $0x1;
	p0 =	seq.s32 s7, s2  }
0x1e: {  	s7 =	smul.u32 @!p0 $0xF7A, s2;
	p2 =	seq.s32 @!p0 s5, $0x0  }
0x1f: {  	s9 =	smul.u32 $0xF7A, s1;
	s8 =	simm.s32 @!p0 $0x1BF5;
	p2 =	por !p2, p0  }
0x20: {  	[sflag:s8] =	ssyncset.s32 @!p0 $0xFFFFF086;
	s6 =	sadd.s32 @!p0 s3, s7;
	s7 =	simm.s32 @!p0 $0x108  }
0x21: {  	s3 =	sadd.s32 s3, s9;
	s6 =	sadd.s32 @!p0 $0x88, s6;
	s7 =	simm.s32 @p2 $0x1082  }
0x22: {  	[simem:s7], [sflag:s8] =	dma.local @!p0 [hbm:s6], $0xF7A  }
0x23: {  	s9 =	sor.u32 $0xD0000000, s2;
	s6 =	simm.s32 $0x108;
	_ =	swait.ge @!p0 [sflag:s8], $0x0  }
0x24: {  	s3 =	sadd.s32 $0x88, s3;
	s6 =	simm.s32 @!p1 $0x1082;
	[sflag:s4] =	ssyncset.s32 $0xFFFFF086  }
0x25: {  	[simem:s6], [sflag:s4] =	dma.local [hbm:s3], $0xF7A  }
0x26: {  	[smem:$0x3F98] =	sst s1;
	(tag) =	ssettag s2;
	_ =	strace s9  }
0x27: {  	s1 =	sld [smem:$0x3FA8]  }
0x28: {  	s2 =	sld [smem:$0x3FA9]  }
0x29: {  	s4 =	sld [smem:$0x3FAB]  }
0x2a: {  	p0 =	seq.s32 s5, $0x0;
	s5 =	sld [smem:$0x3FAC]  }
0x2b: {  	s6 =	sld [smem:$0x3FAD]  }
0x2c: {  	s7 =	sld [smem:$0x3FAE]  }
0x2d: {  	s3 =	simm.s32 $0x108;
	s8 =	sld [smem:$0x3FAF]  }
0x2e: {  	s3 =	simm.s32 @!p0 $0x1082;
	s9 =	sld [smem:$0x3FB0]  }
0x2f: {  	lr =	sadd.s32 s0, s3;
	s0 =	sld [smem:$0x3FA7]  }
0x30: {  	s3 =	sld [smem:$0x3FAA]  }
0x31: {  	[smem:$0x3FB3] =	sst s10  }
0x32: {  	s10 =	sld [smem:$0x3FB1];
	_ =	sdelay $0x3  }
0x33: {  	p0 =	seq.s32 s10, $0x1;
	s10 =	sld [smem:$0x3FB3];
	_ =	sdelay $0x3  }
0x34: {  	[smem:$0x3FB3] =	sst s10  }
0x35: {  	s10 =	sld [smem:$0x3FB2];
	_ =	sdelay $0x3  }
0x36: {  	p1 =	seq.s32 s10, $0x1;
	s10 =	sld [smem:$0x3FB3];
	_ =	sdelay $0x3  }
0x37: {  	[smem:$0x3FB3] =	sst s10  }
0x38: {  	s10 =	sld [smem:$0x3FB4]  }
0x39: {  	_ = 	snop;
	(pc) =	sbr.ind lr, $3  }
0x3a: {  	_ = 	snop  }
0x3b: {  	_ = 	snop  }
0x3c: {  	p2 =	seq.s32 s10, $0x1;
	s10 =	sld [smem:$0x3FB3]  }
0x3d: {  	_ =	shalt  }
0x3e: {  	_ =	shalt  }
0x3f: {  	_ =	shalt  }
0x40: {  	_ =	shalt  }
0x41: {  	_ =	shalt  }
0x42: {  	_ =	shalt  }
0x43: {  	_ =	shalt  }
0x44: {  	_ =	shalt  }
0x45: {  	_ =	shalt  }
0x46: {  	_ =	shalt  }
0x47: {  	_ =	shalt  }
0x48: {  	_ =	shalt  }
0x49: {  	_ =	shalt  }
0x4a: {  	_ =	shalt  }
0x4b: {  	_ =	shalt  }
0x4c: {  	_ =	shalt  }
0x4d: {  	_ =	shalt  }
0x4e: {  	_ =	shalt  }
0x4f: {  	_ =	shalt  }
0x50: {  	_ =	shalt  }
0x51: {  	_ =	shalt  }
0x52: {  	_ =	shalt  }
0x53: {  	_ =	shalt  }
0x54: {  	_ =	shalt  }
0x55: {  	_ =	shalt  }
0x56: {  	_ =	shalt  }
0x57: {  	_ =	shalt  }
0x58: {  	_ =	shalt  }
0x59: {  	_ =	shalt  }
0x5a: {  	_ =	shalt  }
0x5b: {  	_ =	shalt  }
0x5c: {  	_ =	shalt  }
0x5d: {  	_ =	shalt  }
0x5e: {  	_ =	shalt  }
0x5f: {  	_ =	shalt  }
0x60: {  	_ =	shalt  }
0x61: {  	_ =	shalt  }
0x62: {  	_ =	shalt  }
0x63: {  	_ =	shalt  }
0x64: {  	_ =	shalt  }
0x65: {  	_ =	shalt  }
0x66: {  	_ =	shalt  }
0x67: {  	_ =	shalt  }
0x68: {  	_ =	shalt  }
0x69: {  	_ =	shalt  }
0x6a: {  	_ =	shalt  }
0x6b: {  	_ =	shalt  }
0x6c: {  	_ =	shalt  }
0x6d: {  	_ =	shalt  }
0x6e: {  	_ =	shalt  }
0x6f: {  	_ =	shalt  }
0x70: {  	_ =	shalt  }
0x71: {  	_ =	shalt  }
0x72: {  	_ =	shalt  }
0x73: {  	_ =	shalt  }
0x74: {  	_ =	shalt  }
0x75: {  	_ =	shalt  }
0x76: {  	_ =	shalt  }
0x77: {  	_ =	shalt  }
0x78: {  	_ =	shalt  }
0x79: {  	_ =	shalt  }
0x7a: {  	_ =	shalt  }
0x7b: {  	_ =	shalt  }
0x7c: {  	_ =	shalt  }
0x7d: {  	_ =	shalt  }
0x7e: {  	_ =	shalt  }
0x7f: {  	_ =	shalt  }
0x80: {  	_ =	shalt  }
0x81: {  	_ =	shalt  }
0x82: {  	_ =	shalt  }
0x83: {  	_ =	shalt  }
0x84: {  	_ =	shalt  }
0x85: {  	_ =	shalt  }
0x86: {  	_ =	shalt  }
0x87: {  	_ =	shalt  }
.Lfunc_end0:
.L_simem_size_0:
called_computation_lowered:
.L_overlay_start_0:
0x88: {  	s2 =	sld [smem:$0x3FD9]  }
0x89: {  	s3 =	sld [smem:$0x3FFE];
	_ =	sdelay $0x1  }
0x8a: {  	s1 =	srdreg.scid  }
0x8b: {  	s0 =	sand.u32 $0x1, s1  }
0x8c: {  	s17 =	sshll.u32 s0, $0xA;
	s2 =	sadd.s32 s3, s2  }
0x8d: {  	s2 =	sadd.s32 s2, s17  }
0x8e: {  	[smem:$0x3FBF] =	sst s2  }
0x8f: {  	_ = 	snop  }
0x90: {  	s2 =	sld [smem:$0x3FD0];
	(tm) =	ssettm $0x1  }
0x91: {  	s18 =	sld [smem:$0x3FFB];
	_ =	sdelay $0x3  }
0x92: {  	_ =	strace s18  }
0x93: {  	s3 =	sld [smem:$0x3FFC];
	_ =	sdelay $0x3  }
0x94: {  	_ =	strace s3  }
0x95: {  	s3 =	sld [smem:$0x3FFD];
	_ =	sdelay $0x3  }
0x96: {  	_ =	strace s3  }
0x97: {  	_ =	strace $0x8FFFFFFF  }
0x98: {  	s19 =	sld [smem:$0x3FDB];
	_ =	sdelay $0x1  }
0x99: {  	s4 =	simm.s32 $_scs_section_size  }
0x9a: {  	s5 =	simm.s32 $_size__tile_overlayer_lowered;
	s6 =	simm.s32 $_tile_overlayer_lowered  }
0x9b: {  	s22 =	simm.s32 $0x1BFF;
	s21 =	sshll.u32 s6, $0x1;
	s3 =	sadd.s32 s4, s19  }
0x9c: {  	s7 =	simm.s32 $0x0;
	s20 =	sshll.u32 s5, $0x1;
	s5 =	sadd.s32 s21, s3  }
0x9d: {  	[timem:s7], [sflag:s22] =	dma.local [hbm:s5], s20  }
0x9e: {  	_ =	swait.ge [sflag:s22], s20  }
0x9f: {  	s4 =	ssub.s32 $0x0, s20;
	[sflag:s22] =	ssyncset.done $0x0  }
0xa0: {  	[sflag:s22] =	ssyncadd.s32 s4;
	_ =	sdelay $0x1  }
0xa1: {  	s23 =	simm.s32 $0x1B8B  }
0xa2: {  	_ =	swait.ge [sflag:s23], $0x1  }
0xa3: {  	[sflag:s23] =	ssyncset.done $0x0  }
0xa4: {  	s25 =	simm.s32 $0x1B8E;
	s24 =	sld [smem:$0x3FFE];
	[sflag:s23] =	ssyncadd.s32 $0xFFFFFFFF  }
0xa5: {  	s26 =	simm.s32 $execute0_lowered;
	[smem:$0x3FD2] =	sst s25  }
0xa6: {  	s5 =	sshll.u32 s26, $0x1;
	_ =	strace $0x80000046;
	[dreg:$0x1] =	wrdreg $0xFFFFFFFF  }
0xa7: {  	s28 =	simm.s32 $_size_execute0_lowered;
	s3 =	sadd.s32 s3, s5;
	[dreg:$0x0] =	wrdreg $0x0  }
0xa8: {  	s5 =	sshll.u32 s28, $0x1;
	[dreg:$0x2] =	wrdreg s3  }
0xa9: {  	[dreg:$0x3] =	wrdreg s5  }
0xaa: {  	[dreg:$0x4] =	wrdreg $0xC0  }
0xab: {  	_ =	task [dreg:s7], $0x5FFFF  }
0xac: {  	[dreg:$0x1] =	wrdreg $0xFFFFFFFF  }
0xad: {  	[dreg:$0x0] =	wrdreg $0x60  }
0xae: {  	[dreg:$0x2] =	wrdreg s24  }
0xaf: {  	[dreg:$0x3] =	wrdreg s2  }
0xb0: {  	[dreg:$0x4] =	wrdreg $0x90000  }
0xb1: {  	[dreg:$0x5] =	wrdreg $0x9  }
0xb2: {  	_ =	task.clear_ibuf [dreg:s7], $0x6FFFF;
	_ =	strace $0x90000046  }
0xb3: {  	s29 =	simm.s32 $0x9;
	_ =	strace $0x80000048  }
0xb4: {  	_ =	swait.ge [sflag:s29], $0x1  }
0xb5: {  	[sflag:s29] =	ssyncadd.s32 $0xFFFFFFFF  }
0xb6: {  	_ =	strace $0x90000048  }
0xb7: {  	_ =	sfence  }
0xb8: {  	s30 =	sld [smem:$0x0];
	_ =	sdelay $0x2  }
0xb9: {  	s31 =	sshll.u32 s1, $0xD;
	s1 =	sshrl.u32 s1, $0x2  }
0xba: {  	s3 =	sand.u32 $0x4000, s31;
	s1 =	sadd.s32 s1, s30  }
0xbb: {  	s0 =	sor.u32 s3, s0;
	s1 =	sshll.u32 s1, $0x11  }
0xbc: {  	s0 =	sor.u32 s1, s0  }
0xbd: {  	s0 =	sadd.s32 $0x8F2B, s0  }
0xbe: {  	[sflag:s0] =	ssyncadd.remote.s32 $0x1  }
0xbf: {  	_ =	sfence.sel $0xFFFF  }
0xc0: {  	[dreg:$0x0] =	wrdreg $0xFFFFFFFF;
	(pc) =	sbr.abs _section_cstart, $3  }
0xc1: {  	[dreg:$0x1] =	wrdreg $0xFFFFFFFF  }
0xc2: {  	_ =	task.clear_ibuf [dreg:s7], $0x2FFFF;
	_ =	strace $0x9FFFFFFF  }
0xc3: {  	(tm) =	ssettm $0x7FFFFFFF  }
tec
execute0_lowered:
.L_overlay_start_1:
0x0: {  	(tag) =	ssettag $0x1  }
0x1: {  	s0 =	rddreg [dreg:$0x0]  }
0x2: {  	s14 =	rddreg [dreg:$0x1]  }
0x3: {  	s1 =	rddreg [dreg:$0x2];
	s2 =	simm.s32 $0x0  }
0x4: {  	s5 =	srdreg.scid;
	s3 =	stileid.u32;
	s28 =	simm.s32 $0x80  }
0x5: {  	s29 =	simm.s32 $0x400;
	s30 =	simm.s32 $0x0;
	[smem:$0x7FF] =	sst s2  }
0x6: {  	s4 =	sadd.s32 $0x23400, s0;
	s11 =	sadd.s32 $0x13400, s0;
	s8 =	sand.u32 $0x1, s5  }
0x7: {  	s9 =	smul.u32 $0x1400, s3;
	s17 =	sshll.u32 s3, $0x1;
	s13 =	sshrl.u32 s3, $0x2  }
0x8: {  	s15 =	sadd.s32 $0x3400, s0;
	s18 =	sadd.s32 $0x4BE00, s0;
	s19 =	sadd.s32 $0x4BA00, s0  }
0x9: {  	s20 =	sadd.s32 $0x4B400, s0;
	s22 =	smul.u32 $0x28000, s3;
	s31 =	sshll.u32 s3, $0x6  }
0xa: {  	_ =	strace $0x80000047;
	s10 =	smul.u32 $0x14000, s8;
	[dreg:$0x4] =	wrdreg s18  }
0xb: {  	s12 =	sor.u32 s8, s17;
	s16 =	smul.u32 $0x14000, s13;
	[dreg:$0x5] =	wrdreg s19  }
0xc: {  	[dreg:$0x6] =	wrdreg s20;
	s8 =	ssub.s32 $0x2, s8;
	s13 =	smul.u32 $0xA000, s13  }
0xd: {  	s19 =	simm.s32 $0x14400;
	s20 =	sor.u32 $0x1C03, s31;
	s7 =	sshll.u32 s12, $0x7  }
0xe: {  	s23 =	sshrl.u32 s8, $0x1;
	s24 =	sshrl.u32 s22, $0x2;
	s12 =	sshll.u32 s12, $0xB  }
0xf: {  	s22 =	simm.s32 $0x50;
	s17 =	sand.u32 $0x380, s7;
	s9 =	sadd.s32 s9, s10  }
0x10: {  	s25 =	ssub.s32 s8, s23;
	s8 =	sadd.s32 s24, s1;
	s23 =	simm.s32 $0x4000  }
0x11: {  	s24 =	simm.s32 $0x1;
	s21 =	sor.u32 s16, s17;
	s18 =	sadd.s32 s9, s0  }
0x12: {  	s9 =	sadd.s32 s11, s12;
	s13 =	sor.u32 s13, s17;
	s16 =	smax.u32 s25, $0x1  }
0x13: {  	s17 =	simm.s32 $0x13000;
	s25 =	simm.s32 $0x6800;
	s10 =	sshrl.u32 s21, $0x3  }
0x14: {  	s26 =	sshrl.u32 s13, $0x3;
	s13 =	sadd.s32 $0x4D200, s18;
	s18 =	simm.s32 $0x3  }
0x15: {  	s21 =	simm.s32 $0x2000;
	s0 =	sadd.s32 s10, s0;
	s10 =	sadd.s32 s15, s12  }
0x16: {  	s12 =	sor.u32 $0x400, s12;
	s14 =	sadd.s32 s14, s26;
	s26 =	simm.s32 $0x2  }
0x17: {  	v0 =	vimm.f32 $1.000000000e+00;
	s11 =	sadd.s32 s11, s12;
	s12 =	sadd.s32 s15, s12;
	s15 =	sadd.s32 $0x75200, s0  }
.LBB2_1:
0x18: {  	s0 =	rddreg [dreg:$0x5]  }
0x19: {  	[tilespmem:s17], [sflag:$0x3] =	stream.linear.gather [hbm4b:s0+s2], $0x1400, $0x38;
	[tilespmem:$0x16C00] =	vst v63  }
0x1a: {  	_ =	swait.ge [sflag:s18], $0x1400  }
0x1b: {  	[sflag:s18] =	ssyncset.done $0x0  }
0x1c: {  	s6 =	rddreg [dreg:$0x6];
	[sflag:s18] =	ssyncadd.s32 $0xFFFFEC00  }
0x1d: {  	[tilespmem:s19], [sflag:$0x3] =	stream.linear.gather [hbm4b:s6+s2], $0x2800, $0x38;
	[tilespmem:$0x16C00] =	vst v63  }
0x1e: {  	_ =	swait.ge [sflag:s18], $0x2800  }
0x1f: {  	[sflag:s18] =	ssyncset.done $0x0  }
0x20: {  	s31 =	sshrl.u32 s8, $0x3;
	s7 =	rddreg [dreg:$0x4];
	[sflag:s18] =	ssyncadd.s32 $0xFFFFD800  }
0x21: {  	[spmem:s31], [sflag:s20] =	dma.local [hbm:s7], $0x1400  }
0x22: {  	_ =	swait.ge [sflag:s18], $0x1400  }
0x23: {  	[sflag:s18] =	ssyncset.done $0x0  }
0x24: {  	[sflag:s18] =	ssyncadd.s32 $0xFFFFEC00  }
0x25: {  	[bflag:$0x0] =	sbarrier.arrive $0xFFFF  }
0x26: {  	[tilespmem:s2], [sflag:$0x3] =	stream.linear.gather [hbm4b:s9+s2], $0x2000, $0x38;
	[tilespmem:$0x16C00] =	vst v63  }
0x27: {  	_ =	swait.ge [sflag:s18], $0x2000  }
0x28: {  	[sflag:s18] =	ssyncset.done $0x0  }
0x29: {  	[sflag:s18] =	ssyncadd.s32 $0xFFFFE000  }
0x2a: {  	[tilespmem:s21], [sflag:$0x3] =	stream.linear.gather [hbm4b:s10+s2], $0x2000, $0x38;
	[tilespmem:$0x16C00] =	vst v63  }
0x2b: {  	_ =	swait.ge [sflag:s18], $0x2000  }
0x2c: {  	[sflag:s18] =	ssyncset.done $0x0  }
0x2d: {  	s0 =	simm.s32 $0x0;
	[sflag:s18] =	ssyncadd.s32 $0xFFFFE000  }
0x2e: {  	[tilespmem:s23], [sflag:$0x1] =	stream.indirect.gather [hbm4b:s4+s22], $0x80, s2, s22, $0xb8;
	[tilespmem:$0x16C00] =	vst v63  }
.LBB2_2:
0x2f: {  	_ =	swait.ge [sflag:s24], $0x2800  }
0x30: {  	s3 =	sshra.s32 s0, $0x2;
	[sflag:s24] =	ssyncset.done $0x0  }
0x31: {  	s5 =	sadd.s32 $0x80, s3;
	[sflag:s24] =	ssyncadd.s32 $0xFFFFD800  }
0x32: {  	[tilespmem:s25], [sflag:$0x2] =	stream.indirect.gather [hbm4b:s4+s22], $0x80, s5, s22, $0xb8;
	[tilespmem:$0x16C00] =	vst v63  }
0x33: {  	s6 =	sadd.s32 $0x2000, s3  }
0x34: {  	[spmem:s1] =	stream.indirect.scatter.add.f32 [tilespmem:s23], [sflag:$0x3], $0x80, s6, s22, $0xb8;
	[tilespmem:$0x16C00] =	vst v63  }
0x35: {  	_ =	swait.ge [sflag:s18], $0x2800  }
0x36: {  	[sflag:s18] =	ssyncset.done $0x0  }
0x37: {  	[sflag:s18] =	ssyncadd.s32 $0xFFFFD800  }
0x38: {  	v1 =	vld [tilespmem:s3+$0x2000];
	_ =	sdelay $0x7  }
0x39: {  	[tilespmem:v1+s17+$0x0] =	vst.idx.add.f32.msk $0xffff, v0  }
0x3a: {  	v1 =	vld [tilespmem:s3+$0x0];
	_ =	sdelay $0x7  }
0x3b: {  	[tilespmem:v1+s19+$0x0] =	vst.idx.add.f32.msk $0xffff, v0  }
0x3c: {  	v1 =	vld [tilespmem:s3+$0x2010];
	_ =	sdelay $0x7  }
0x3d: {  	[tilespmem:v1+s17+$0x0] =	vst.idx.add.f32.msk $0xffff, v0  }
0x3e: {  	v1 =	vld [tilespmem:s3+$0x10];
	_ =	sdelay $0x7  }
0x3f: {  	[tilespmem:v1+s19+$0x0] =	vst.idx.add.f32.msk $0xffff, v0  }
0x40: {  	v1 =	vld [tilespmem:s3+$0x2020];
	_ =	sdelay $0x7  }
0x41: {  	[tilespmem:v1+s17+$0x0] =	vst.idx.add.f32.msk $0xffff, v0  }
0x42: {  	v1 =	vld [tilespmem:s3+$0x20];
	_ =	sdelay $0x7  }
0x43: {  	[tilespmem:v1+s19+$0x0] =	vst.idx.add.f32.msk $0xffff, v0  }
0x44: {  	v1 =	vld [tilespmem:s3+$0x2030];
	_ =	sdelay $0x7  }
0x45: {  	[tilespmem:v1+s17+$0x0] =	vst.idx.add.f32.msk $0xffff, v0  }
0x46: {  	v1 =	vld [tilespmem:s3+$0x30];
	_ =	sdelay $0x7  }
0x47: {  	[tilespmem:v1+s19+$0x0] =	vst.idx.add.f32.msk $0xffff, v0  }
0x48: {  	v1 =	vld [tilespmem:s3+$0x2040];
	_ =	sdelay $0x7  }
0x49: {  	[tilespmem:v1+s17+$0x0] =	vst.idx.add.f32.msk $0xffff, v0  }
0x4a: {  	v1 =	vld [tilespmem:s3+$0x40];
	_ =	sdelay $0x7  }
0x4b: {  	[tilespmem:v1+s19+$0x0] =	vst.idx.add.f32.msk $0xffff, v0  }
0x4c: {  	p0 =	seq.s32 s0, $0x7C00;
	_ =	swait.ge [sflag:s26], $0x2800  }
0x4d: {  	s7 =	simm.s32 @!p0 $0x4000;
	s5 =	sshra.s32 @!p0 s0, $0x2;
	[sflag:s26] =	ssyncset.done $0x0  }
0x4e: {  	s5 =	sadd.s32 @!p0 $0x100, s5;
	s6 =	simm.s32 @!p0 $0x50;
	[sflag:s26] =	ssyncadd.s32 $0xFFFFD800  }
0x4f: {  	[tilespmem:s7], [sflag:$0x1] =	stream.indirect.gather @!p0 [hbm4b:s4+s6], $0x80, s5, s6, $0xb8;
	[tilespmem:$0x16C00] =	vst v63  }
0x50: {  	s7 =	sadd.s32 $0x2080, s3  }
0x51: {  	[spmem:s1] =	stream.indirect.scatter.add.f32 [tilespmem:s25], [sflag:$0x3], $0x80, s7, s22, $0xb8;
	[tilespmem:$0x16C00] =	vst v63  }
0x52: {  	_ =	swait.ge [sflag:s18], $0x2800  }
0x53: {  	[sflag:s18] =	ssyncset.done $0x0  }
0x54: {  	[sflag:s18] =	ssyncadd.s32 $0xFFFFD800  }
0x55: {  	v1 =	vld [tilespmem:s3+$0x2080];
	_ =	sdelay $0x7  }
0x56: {  	[tilespmem:v1+s17+$0x0] =	vst.idx.add.f32.msk $0xffff, v0  }
0x57: {  	v1 =	vld [tilespmem:s3+$0x80];
	_ =	sdelay $0x7  }
0x58: {  	[tilespmem:v1+s19+$0x0] =	vst.idx.add.f32.msk $0xffff, v0  }
0x59: {  	v1 =	vld [tilespmem:s3+$0x2090];
	_ =	sdelay $0x7  }
0x5a: {  	[tilespmem:v1+s17+$0x0] =	vst.idx.add.f32.msk $0xffff, v0  }
0x5b: {  	v1 =	vld [tilespmem:s3+$0x90];
	_ =	sdelay $0x7  }
0x5c: {  	[tilespmem:v1+s19+$0x0] =	vst.idx.add.f32.msk $0xffff, v0  }
0x5d: {  	v1 =	vld [tilespmem:s3+$0x20A0];
	_ =	sdelay $0x7  }
0x5e: {  	[tilespmem:v1+s17+$0x0] =	vst.idx.add.f32.msk $0xffff, v0  }
0x5f: {  	v1 =	vld [tilespmem:s3+$0xA0];
	_ =	sdelay $0x7  }
0x60: {  	[tilespmem:v1+s19+$0x0] =	vst.idx.add.f32.msk $0xffff, v0  }
0x61: {  	v1 =	vld [tilespmem:s3+$0x20B0];
	_ =	sdelay $0x7  }
0x62: {  	[tilespmem:v1+s17+$0x0] =	vst.idx.add.f32.msk $0xffff, v0  }
0x63: {  	v1 =	vld [tilespmem:s3+$0xB0];
	_ =	sdelay $0x7  }
0x64: {  	[tilespmem:v1+s19+$0x0] =	vst.idx.add.f32.msk $0xffff, v0  }
0x65: {  	v1 =	vld [tilespmem:s3+$0x20C0];
	_ =	sdelay $0x7  }
0x66: {  	[tilespmem:v1+s17+$0x0] =	vst.idx.add.f32.msk $0xffff, v0  }
0x67: {  	v1 =	vld [tilespmem:s3+$0xC0];
	_ =	sdelay $0x1  }
0x68: {  	s0 =	sadd.s32 $0x400, s0  }
0x69: {  	p0 =	sne.s32 s0, $0x8000  }
.Ltmp0:
0x6a: {  	_ = 	snop;
	(pc) =	sbr.rel @p0 .LBB2_2-.Ltmp0, $2  }
0x6b: {  	_ =	sdelay $0x2  }
0x6c: {  	[tilespmem:v1+s19+$0x0] =	vst.idx.add.f32.msk $0xffff, v0  }
0x6d: {  	s0 =	simm.s32 $0x0  }
0x6e: {  	[tilespmem:s0], [sflag:$0x3] =	stream.linear.gather [hbm4b:s11+s0], $0x2000, $0x38;
	[tilespmem:$0x16C00] =	vst v63  }
0x6f: {  	_ =	swait.ge [sflag:s18], $0x2000  }
0x70: {  	[sflag:s18] =	ssyncset.done $0x0  }
0x71: {  	[sflag:s18] =	ssyncadd.s32 $0xFFFFE000  }
0x72: {  	[tilespmem:s21], [sflag:$0x3] =	stream.linear.gather [hbm4b:s12+s0], $0x2000, $0x38;
	[tilespmem:$0x16C00] =	vst v63  }
0x73: {  	_ =	swait.ge [sflag:s18], $0x2000  }
0x74: {  	[sflag:s18] =	ssyncset.done $0x0  }
0x75: {  	[sflag:s18] =	ssyncadd.s32 $0xFFFFE000  }
0x76: {  	[tilespmem:s23], [sflag:$0x1] =	stream.indirect.gather [hbm4b:s4+s22], $0x80, s0, s22, $0xb8;
	[tilespmem:$0x16C00] =	vst v63  }
.LBB2_4:
0x77: {  	_ =	swait.ge [sflag:s24], $0x2800  }
0x78: {  	s3 =	sshra.s32 s0, $0x2;
	[sflag:s24] =	ssyncset.done $0x0  }
0x79: {  	s5 =	sadd.s32 $0x80, s3;
	[sflag:s24] =	ssyncadd.s32 $0xFFFFD800  }
0x7a: {  	[tilespmem:s25], [sflag:$0x2] =	stream.indirect.gather [hbm4b:s4+s22], $0x80, s5, s22, $0xb8;
	[tilespmem:$0x16C00] =	vst v63  }
0x7b: {  	s6 =	sadd.s32 $0x2000, s3  }
0x7c: {  	[spmem:s1] =	stream.indirect.scatter.add.f32 [tilespmem:s23], [sflag:$0x3], $0x80, s6, s22, $0xb8;
	[tilespmem:$0x16C00] =	vst v63  }
0x7d: {  	_ =	swait.ge [sflag:s18], $0x2800  }
0x7e: {  	[sflag:s18] =	ssyncset.done $0x0  }
0x7f: {  	[sflag:s18] =	ssyncadd.s32 $0xFFFFD800  }
0x80: {  	v1 =	vld [tilespmem:s3+$0x2000];
	_ =	sdelay $0x7  }
0x81: {  	[tilespmem:v1+s17+$0x0] =	vst.idx.add.f32.msk $0xffff, v0  }
0x82: {  	v1 =	vld [tilespmem:s3+$0x0];
	_ =	sdelay $0x7  }
0x83: {  	[tilespmem:v1+s19+$0x0] =	vst.idx.add.f32.msk $0xffff, v0  }
0x84: {  	v1 =	vld [tilespmem:s3+$0x2010];
	_ =	sdelay $0x7  }
0x85: {  	[tilespmem:v1+s17+$0x0] =	vst.idx.add.f32.msk $0xffff, v0  }
0x86: {  	v1 =	vld [tilespmem:s3+$0x10];
	_ =	sdelay $0x7  }
0x87: {  	[tilespmem:v1+s19+$0x0] =	vst.idx.add.f32.msk $0xffff, v0  }
0x88: {  	v1 =	vld [tilespmem:s3+$0x2020];
	_ =	sdelay $0x7  }
0x89: {  	[tilespmem:v1+s17+$0x0] =	vst.idx.add.f32.msk $0xffff, v0  }
0x8a: {  	v1 =	vld [tilespmem:s3+$0x20];
	_ =	sdelay $0x7  }
0x8b: {  	[tilespmem:v1+s19+$0x0] =	vst.idx.add.f32.msk $0xffff, v0  }
0x8c: {  	v1 =	vld [tilespmem:s3+$0x2030];
	_ =	sdelay $0x7  }
0x8d: {  	[tilespmem:v1+s17+$0x0] =	vst.idx.add.f32.msk $0xffff, v0  }
0x8e: {  	v1 =	vld [tilespmem:s3+$0x30];
	_ =	sdelay $0x7  }
0x8f: {  	[tilespmem:v1+s19+$0x0] =	vst.idx.add.f32.msk $0xffff, v0  }
0x90: {  	v1 =	vld [tilespmem:s3+$0x2040];
	_ =	sdelay $0x7  }
0x91: {  	[tilespmem:v1+s17+$0x0] =	vst.idx.add.f32.msk $0xffff, v0  }
0x92: {  	v1 =	vld [tilespmem:s3+$0x40];
	_ =	sdelay $0x7  }
0x93: {  	[tilespmem:v1+s19+$0x0] =	vst.idx.add.f32.msk $0xffff, v0  }
0x94: {  	p0 =	seq.s32 s0, $0x7C00;
	_ =	swait.ge [sflag:s26], $0x2800  }
0x95: {  	s7 =	simm.s32 @!p0 $0x4000;
	s5 =	sshra.s32 @!p0 s0, $0x2;
	[sflag:s26] =	ssyncset.done $0x0  }
0x96: {  	s5 =	sadd.s32 @!p0 $0x100, s5;
	s6 =	simm.s32 @!p0 $0x50;
	[sflag:s26] =	ssyncadd.s32 $0xFFFFD800  }
0x97: {  	[tilespmem:s7], [sflag:$0x1] =	stream.indirect.gather @!p0 [hbm4b:s4+s6], $0x80, s5, s6, $0xb8;
	[tilespmem:$0x16C00] =	vst v63  }
0x98: {  	s7 =	sadd.s32 $0x2080, s3  }
0x99: {  	[spmem:s1] =	stream.indirect.scatter.add.f32 [tilespmem:s25], [sflag:$0x3], $0x80, s7, s22, $0xb8;
	[tilespmem:$0x16C00] =	vst v63  }
0x9a: {  	_ =	swait.ge [sflag:s18], $0x2800  }
0x9b: {  	[sflag:s18] =	ssyncset.done $0x0  }
0x9c: {  	[sflag:s18] =	ssyncadd.s32 $0xFFFFD800  }
0x9d: {  	v1 =	vld [tilespmem:s3+$0x2080];
	_ =	sdelay $0x7  }
0x9e: {  	[tilespmem:v1+s17+$0x0] =	vst.idx.add.f32.msk $0xffff, v0  }
0x9f: {  	v1 =	vld [tilespmem:s3+$0x80];
	_ =	sdelay $0x7  }
0xa0: {  	[tilespmem:v1+s19+$0x0] =	vst.idx.add.f32.msk $0xffff, v0  }
0xa1: {  	v1 =	vld [tilespmem:s3+$0x2090];
	_ =	sdelay $0x7  }
0xa2: {  	[tilespmem:v1+s17+$0x0] =	vst.idx.add.f32.msk $0xffff, v0  }
0xa3: {  	v1 =	vld [tilespmem:s3+$0x90];
	_ =	sdelay $0x7  }
0xa4: {  	[tilespmem:v1+s19+$0x0] =	vst.idx.add.f32.msk $0xffff, v0  }
0xa5: {  	v1 =	vld [tilespmem:s3+$0x20A0];
	_ =	sdelay $0x7  }
0xa6: {  	[tilespmem:v1+s17+$0x0] =	vst.idx.add.f32.msk $0xffff, v0  }
0xa7: {  	v1 =	vld [tilespmem:s3+$0xA0];
	_ =	sdelay $0x7  }
0xa8: {  	[tilespmem:v1+s19+$0x0] =	vst.idx.add.f32.msk $0xffff, v0  }
0xa9: {  	v1 =	vld [tilespmem:s3+$0x20B0];
	_ =	sdelay $0x7  }
0xaa: {  	[tilespmem:v1+s17+$0x0] =	vst.idx.add.f32.msk $0xffff, v0  }
0xab: {  	v1 =	vld [tilespmem:s3+$0xB0];
	_ =	sdelay $0x7  }
0xac: {  	[tilespmem:v1+s19+$0x0] =	vst.idx.add.f32.msk $0xffff, v0  }
0xad: {  	v1 =	vld [tilespmem:s3+$0x20C0];
	_ =	sdelay $0x7  }
0xae: {  	[tilespmem:v1+s17+$0x0] =	vst.idx.add.f32.msk $0xffff, v0  }
0xaf: {  	v1 =	vld [tilespmem:s3+$0xC0];
	_ =	sdelay $0x1  }
0xb0: {  	s0 =	sadd.s32 $0x400, s0  }
0xb1: {  	p0 =	sne.s32 s0, $0x8000  }
.Ltmp1:
0xb2: {  	_ = 	snop;
	(pc) =	sbr.rel @p0 .LBB2_4-.Ltmp1, $2  }
0xb3: {  	_ =	sdelay $0x2  }
0xb4: {  	[tilespmem:v1+s19+$0x0] =	vst.idx.add.f32.msk $0xffff, v0  }
0xb5: {  	[bflag:$0x0] =	sbarrier.arrive $0xFFFF  }
0xb6: {  	[hbm:s13], [sflag:s20] =	dma.local [spmem:s31], $0x1400  }
0xb7: {  	_ =	swait.ge [sflag:s18], $0x1400  }
0xb8: {  	[sflag:s18] =	ssyncset.done $0x0  }
0xb9: {  	[sflag:s18] =	ssyncadd.s32 $0xFFFFEC00  }
0xba: {  	[hbm4b:s14+s28] =	stream.strided.scatter [tilespmem:s17], [sflag:$0x3], $0x1400, s29, s28, $0x38;
	[tilespmem:$0x16C00] =	vst v63  }
0xbb: {  	s30 =	sadd.s32 $0x1, s30;
	_ =	swait.ge [sflag:s18], $0x1400  }
0xbc: {  	p0 =	sne.s32 s30, s16;
	[sflag:s18] =	ssyncset.done $0x0  }
.Ltmp2:
0xbd: {  	[sflag:s18] =	ssyncadd.s32 $0xFFFFEC00;
	(pc) =	sbr.rel @p0 .LBB2_1-.Ltmp2, $4  }
0xbe: {  	[hbm4b:s15+s28] =	stream.strided.scatter [tilespmem:s19], [sflag:$0x3], $0x2800, s29, s28, $0x38;
	[tilespmem:$0x16C00] =	vst v63  }
0xbf: {  	_ =	swait.ge [sflag:s18], $0x2800  }
0xc0: {  	[sflag:s18] =	ssyncset.done $0x0  }
0xc1: {  	[sflag:s18] =	ssyncadd.s32 $0xFFFFD800  }
0xc2: {  	_ =	sfence.sel $0x180000  }
0xc3: {  	[bflag:$0x0] =	sbarrier.arrive $0xFFFF  }
0xc4: {  	_ =	strace $0x90000047  }
0xc5: {  	s0 =	stileid.u32;
	[bflag:$0x2] =	sbarrier.arrive $0xFFFF  }
0xc6: {  	p0 =	sne.s32 s0, $0x0;
	s0 =	rddreg [dreg:$0x3]  }
0xc7: {  	s0 =	sadd.s32 @!p0 $0x100000, s0  }
0xc8: {  	[sflag:s0] =	ssyncadd.tile.s32 @!p0 $0x1;
	_ =	shalt  }
.Lfunc_end2:
_tile_overlayer_lowered:
.L_overlay_start_2:
0xc9: {  	(tag) =	ssettag $0x2  }
0xca: {  	s0 =	rddreg [dreg:$0x0];
	s2 =	stileid.u32  }
0xcb: {  	s1 =	rddreg [dreg:$0x1];
	p0 =	sne.s32 s2, $0x0  }
0xcc: {  	s3 =	rddreg [dreg:$0x2];
	[bflag:$0x3] =	sbarrier.arrive $0xFFFF;
	s2 =	simm.s32 @!p0 $0x1C03  }
0xcd: {  	[timem:s3], [sflag:s2] =	dma.local @!p0 [hbm:s0], s1  }
0xce: {  	s0 =	simm.s32 @!p0 $0x3  }
0xcf: {  	_ =	swait.ge @!p0 [sflag:s0], s1  }
0xd0: {  	s1 =	ssub.s32 @!p0 $0x0, s1;
	[sflag:s0] =	ssyncset.done @!p0 $0x0  }
0xd1: {  	[sflag:s0] =	ssyncadd.s32 @!p0 s1  }
0xd2: {  	[bflag:$0x3] =	sbarrier.arrive $0xFFFF  }
0xd3: {  	_ =	shalt  }

// kernel: kernel.9.cloned.1.call-start
scs
__scs_entry_jumppad:
0x0: {  	(pc) =	sbr.rel $0x88, $3  }
0x1: {  	(tag) =	ssettag $0x0;
	lr =	simm.s32 $0x1  }
0x2: {  	[smem:$0x3F98] =	sst lr;
	_ =	strace $0xD0000000  }
0x3: {  	_ = 	snop  }
0x4: {  	_ = 	snop  }
0x5: {  	_ = 	snop  }
0x6: {  	_ = 	snop  }
0x7: {  	_ = 	snop  }
__scs_overlays_trampoline_lowered:
0x8: {  	[smem:$0x3FA7] =	sst s0  }
0x9: {  	[smem:$0x3FA8] =	sst s1  }
0xa: {  	[smem:$0x3FA9] =	sst s2  }
0xb: {  	[smem:$0x3FAA] =	sst s3  }
0xc: {  	[smem:$0x3FAB] =	sst s4  }
0xd: {  	[smem:$0x3FAC] =	sst s5  }
0xe: {  	[smem:$0x3FAD] =	sst s6  }
0xf: {  	[smem:$0x3FAE] =	sst s7  }
0x10: {  	[smem:$0x3FAF] =	sst s8  }
0x11: {  	[smem:$0x3FB0] =	sst s9;
	s0 =	simm.s32 @!p0 $0x0  }
0x12: {  	s1 =	sld [smem:$0x3F96];
	s0 =	simm.s32 @p0 $0x1  }
0x13: {  	[smem:$0x3FB1] =	sst s0;
	s0 =	simm.s32 @!p1 $0x0  }
0x14: {  	s2 =	sld [smem:$0x3F95];
	s0 =	simm.s32 @p1 $0x1  }
0x15: {  	[smem:$0x3FB2] =	sst s0;
	s0 =	simm.s32 @!p2 $0x0  }
0x16: {  	s3 =	sld [smem:$0x3FDB];
	s0 =	simm.s32 @p2 $0x1  }
0x17: {  	s4 =	simm.s32 $0x1BF5;
	[smem:$0x3FB4] =	sst s0  }
0x18: {  	s0 =	sld [smem:$0x3F97];
	_ =	swait.ge [sflag:s4], $0x0  }
0x19: {  	s7 =	sld [smem:$0x3F98]  }
0x1a: {  	s8 =	sadd.s32 $0xFFFFE003, lr  }
0x1b: {  	s9 =	sadd.s32 $0xFFFFFEF7, lr;
	s5 =	simm.s32 $0xFFFFFFFF;
	p2 =	slt.u32 s8, $0xFFFFF086  }
0x1c: {  	p1 =	slt.u32 s9, $0xF7A;
	s5 =	simm.s32 @!p2 $0x0  }
0x1d: {  	s5 =	simm.s32 @p1 $0x1;
	p0 =	seq.s32 s7, s2  }
0x1e: {  	s7 =	smul.u32 @!p0 $0xF7A, s2;
	p2 =	seq.s32 @!p0 s5, $0x0  }
0x1f: {  	s9 =	smul.u32 $0xF7A, s1;
	s8 =	simm.s32 @!p0 $0x1BF5;
	p2 =	por !p2, p0  }
0x20: {  	[sflag:s8] =	ssyncset.s32 @!p0 $0xFFFFF086;
	s6 =	sadd.s32 @!p0 s3, s7;
	s7 =	simm.s32 @!p0 $0x108  }
0x21: {  	s3 =	sadd.s32 s3, s9;
	s6 =	sadd.s32 @!p0 $0x88, s6;
	s7 =	simm.s32 @p2 $0x1082  }
0x22: {  	[simem:s7], [sflag:s8] =	dma.local @!p0 [hbm:s6], $0xF7A  }
0x23: {  	s9 =	sor.u32 $0xD0000000, s2;
	s6 =	simm.s32 $0x108;
	_ =	swait.ge @!p0 [sflag:s8], $0x0  }
0x24: {  	s3 =	sadd.s32 $0x88, s3;
	s6 =	simm.s32 @!p1 $0x1082;
	[sflag:s4] =	ssyncset.s32 $0xFFFFF086  }
0x25: {  	[simem:s6], [sflag:s4] =	dma.local [hbm:s3], $0xF7A  }
0x26: {  	[smem:$0x3F98] =	sst s1;
	(tag) =	ssettag s2;
	_ =	strace s9  }
0x27: {  	s1 =	sld [smem:$0x3FA8]  }
0x28: {  	s2 =	sld [smem:$0x3FA9]  }
0x29: {  	s4 =	sld [smem:$0x3FAB]  }
0x2a: {  	p0 =	seq.s32 s5, $0x0;
	s5 =	sld [smem:$0x3FAC]  }
0x2b: {  	s6 =	sld [smem:$0x3FAD]  }
0x2c: {  	s7 =	sld [smem:$0x3FAE]  }
0x2d: {  	s3 =	simm.s32 $0x108;
	s8 =	sld [smem:$0x3FAF]  }
0x2e: {  	s3 =	simm.s32 @!p0 $0x1082;
	s9 =	sld [smem:$0x3FB0]  }
0x2f: {  	lr =	sadd.s32 s0, s3;
	s0 =	sld [smem:$0x3FA7]  }
0x30: {  	s3 =	sld [smem:$0x3FAA]  }
0x31: {  	[smem:$0x3FB3] =	sst s10  }
0x32: {  	s10 =	sld [smem:$0x3FB1];
	_ =	sdelay $0x3  }
0x33: {  	p0 =	seq.s32 s10, $0x1;
	s10 =	sld [smem:$0x3FB3];
	_ =	sdelay $0x3  }
0x34: {  	[smem:$0x3FB3] =	sst s10  }
0x35: {  	s10 =	sld [smem:$0x3FB2];
	_ =	sdelay $0x3  }
0x36: {  	p1 =	seq.s32 s10, $0x1;
	s10 =	sld [smem:$0x3FB3];
	_ =	sdelay $0x3  }
0x37: {  	[smem:$0x3FB3] =	sst s10  }
0x38: {  	s10 =	sld [smem:$0x3FB4]  }
0x39: {  	_ = 	snop;
	(pc) =	sbr.ind lr, $3  }
0x3a: {  	_ = 	snop  }
0x3b: {  	_ = 	snop  }
0x3c: {  	p2 =	seq.s32 s10, $0x1;
	s10 =	sld [smem:$0x3FB3]  }
0x3d: {  	_ =	shalt  }
0x3e: {  	_ =	shalt  }
0x3f: {  	_ =	shalt  }
0x40: {  	_ =	shalt  }
0x41: {  	_ =	shalt  }
0x42: {  	_ =	shalt  }
0x43: {  	_ =	shalt  }
0x44: {  	_ =	shalt  }
0x45: {  	_ =	shalt  }
0x46: {  	_ =	shalt  }
0x47: {  	_ =	shalt  }
0x48: {  	_ =	shalt  }
0x49: {  	_ =	shalt  }
0x4a: {  	_ =	shalt  }
0x4b: {  	_ =	shalt  }
0x4c: {  	_ =	shalt  }
0x4d: {  	_ =	shalt  }
0x4e: {  	_ =	shalt  }
0x4f: {  	_ =	shalt  }
0x50: {  	_ =	shalt  }
0x51: {  	_ =	shalt  }
0x52: {  	_ =	shalt  }
0x53: {  	_ =	shalt  }
0x54: {  	_ =	shalt  }
0x55: {  	_ =	shalt  }
0x56: {  	_ =	shalt  }
0x57: {  	_ =	shalt  }
0x58: {  	_ =	shalt  }
0x59: {  	_ =	shalt  }
0x5a: {  	_ =	shalt  }
0x5b: {  	_ =	shalt  }
0x5c: {  	_ =	shalt  }
0x5d: {  	_ =	shalt  }
0x5e: {  	_ =	shalt  }
0x5f: {  	_ =	shalt  }
0x60: {  	_ =	shalt  }
0x61: {  	_ =	shalt  }
0x62: {  	_ =	shalt  }
0x63: {  	_ =	shalt  }
0x64: {  	_ =	shalt  }
0x65: {  	_ =	shalt  }
0x66: {  	_ =	shalt  }
0x67: {  	_ =	shalt  }
0x68: {  	_ =	shalt  }
0x69: {  	_ =	shalt  }
0x6a: {  	_ =	shalt  }
0x6b: {  	_ =	shalt  }
0x6c: {  	_ =	shalt  }
0x6d: {  	_ =	shalt  }
0x6e: {  	_ =	shalt  }
0x6f: {  	_ =	shalt  }
0x70: {  	_ =	shalt  }
0x71: {  	_ =	shalt  }
0x72: {  	_ =	shalt  }
0x73: {  	_ =	shalt  }
0x74: {  	_ =	shalt  }
0x75: {  	_ =	shalt  }
0x76: {  	_ =	shalt  }
0x77: {  	_ =	shalt  }
0x78: {  	_ =	shalt  }
0x79: {  	_ =	shalt  }
0x7a: {  	_ =	shalt  }
0x7b: {  	_ =	shalt  }
0x7c: {  	_ =	shalt  }
0x7d: {  	_ =	shalt  }
0x7e: {  	_ =	shalt  }
0x7f: {  	_ =	shalt  }
0x80: {  	_ =	shalt  }
0x81: {  	_ =	shalt  }
0x82: {  	_ =	shalt  }
0x83: {  	_ =	shalt  }
0x84: {  	_ =	shalt  }
0x85: {  	_ =	shalt  }
0x86: {  	_ =	shalt  }
0x87: {  	_ =	shalt  }
.Lfunc_end0:
.L_simem_size_0:
called_computation.1_lowered:
.L_overlay_start_0:
0x88: {  	s2 =	sld [smem:$0x3FD9]  }
0x89: {  	s3 =	sld [smem:$0x3FFE];
	_ =	sdelay $0x1  }
0x8a: {  	s1 =	srdreg.scid  }
0x8b: {  	s0 =	sand.u32 $0x1, s1  }
0x8c: {  	s17 =	sshll.u32 s0, $0xA;
	s2 =	sadd.s32 s3, s2  }
0x8d: {  	s2 =	sadd.s32 s2, s17  }
0x8e: {  	[smem:$0x3FBF] =	sst s2  }
0x8f: {  	_ = 	snop  }
0x90: {  	s2 =	sld [smem:$0x3FD0];
	(tm) =	ssettm $0x1  }
0x91: {  	s18 =	sld [smem:$0x3FFB];
	_ =	sdelay $0x3  }
0x92: {  	_ =	strace s18  }
0x93: {  	s3 =	sld [smem:$0x3FFC];
	_ =	sdelay $0x3  }
0x94: {  	_ =	strace s3  }
0x95: {  	s3 =	sld [smem:$0x3FFD];
	_ =	sdelay $0x3  }
0x96: {  	_ =	strace s3  }
0x97: {  	_ =	strace $0x8FFFFFFF  }
0x98: {  	s19 =	sld [smem:$0x3FDB];
	_ =	sdelay $0x1  }
0x99: {  	s4 =	simm.s32 $_scs_section_size  }
0x9a: {  	s5 =	simm.s32 $_size__tile_overlayer_lowered;
	s6 =	simm.s32 $_tile_overlayer_lowered  }
0x9b: {  	s22 =	simm.s32 $0x1BFF;
	s21 =	sshll.u32 s6, $0x1;
	s3 =	sadd.s32 s4, s19  }
0x9c: {  	s7 =	simm.s32 $0x0;
	s20 =	sshll.u32 s5, $0x1;
	s5 =	sadd.s32 s21, s3  }
0x9d: {  	[timem:s7], [sflag:s22] =	dma.local [hbm:s5], s20  }
0x9e: {  	_ =	swait.ge [sflag:s22], s20  }
0x9f: {  	s4 =	ssub.s32 $0x0, s20;
	[sflag:s22] =	ssyncset.done $0x0  }
0xa0: {  	[sflag:s22] =	ssyncadd.s32 s4;
	_ =	sdelay $0x1  }
0xa1: {  	s23 =	simm.s32 $0x1B8B  }
0xa2: {  	_ =	swait.ge [sflag:s23], $0x1  }
0xa3: {  	[sflag:s23] =	ssyncset.done $0x0  }
0xa4: {  	s25 =	simm.s32 $0x1B8E;
	s24 =	sld [smem:$0x3FFE];
	[sflag:s23] =	ssyncadd.s32 $0xFFFFFFFF  }
0xa5: {  	s26 =	simm.s32 $execute0_lowered;
	[smem:$0x3FD2] =	sst s25  }
0xa6: {  	s5 =	sshll.u32 s26, $0x1;
	_ =	strace $0x80000049;
	[dreg:$0x1] =	wrdreg $0xFFFFFFFF  }
0xa7: {  	s28 =	simm.s32 $_size_execute0_lowered;
	s3 =	sadd.s32 s3, s5;
	[dreg:$0x0] =	wrdreg $0x0  }
0xa8: {  	s5 =	sshll.u32 s28, $0x1;
	[dreg:$0x2] =	wrdreg s3  }
0xa9: {  	[dreg:$0x3] =	wrdreg s5  }
0xaa: {  	[dreg:$0x4] =	wrdreg $0xC0  }
0xab: {  	_ =	task [dreg:s7], $0x5FFFF  }
0xac: {  	[dreg:$0x1] =	wrdreg $0xFFFFFFFF  }
0xad: {  	[dreg:$0x0] =	wrdreg $0x60  }
0xae: {  	[dreg:$0x2] =	wrdreg s2  }
0xaf: {  	[dreg:$0x3] =	wrdreg s24  }
0xb0: {  	[dreg:$0x4] =	wrdreg $0x90000  }
0xb1: {  	[dreg:$0x5] =	wrdreg $0x9  }
0xb2: {  	_ =	task.clear_ibuf [dreg:s7], $0x6FFFF;
	_ =	strace $0x90000049  }
0xb3: {  	s29 =	simm.s32 $0x9;
	_ =	strace $0x8000004B  }
0xb4: {  	_ =	swait.ge [sflag:s29], $0x1  }
0xb5: {  	[sflag:s29] =	ssyncadd.s32 $0xFFFFFFFF  }
0xb6: {  	_ =	strace $0x9000004B  }
0xb7: {  	_ =	sfence  }
0xb8: {  	s30 =	sld [smem:$0x0];
	_ =	sdelay $0x2  }
0xb9: {  	s31 =	sshll.u32 s1, $0xD;
	s1 =	sshrl.u32 s1, $0x2  }
0xba: {  	s3 =	sand.u32 $0x4000, s31;
	s1 =	sadd.s32 s1, s30  }
0xbb: {  	s0 =	sor.u32 s3, s0;
	s1 =	sshll.u32 s1, $0x11  }
0xbc: {  	s0 =	sor.u32 s1, s0  }
0xbd: {  	s0 =	sadd.s32 $0x8F2B, s0  }
0xbe: {  	[sflag:s0] =	ssyncadd.remote.s32 $0x1  }
0xbf: {  	_ =	sfence.sel $0xFFFF  }
0xc0: {  	[dreg:$0x0] =	wrdreg $0xFFFFFFFF;
	(pc) =	sbr.abs _section_cstart, $3  }
0xc1: {  	[dreg:$0x1] =	wrdreg $0xFFFFFFFF  }
0xc2: {  	_ =	task.clear_ibuf [dreg:s7], $0x2FFFF;
	_ =	strace $0x9FFFFFFF  }
0xc3: {  	(tm) =	ssettm $0x7FFFFFFF  }
tec
execute0_lowered:
.L_overlay_start_1:
0x0: {  	(tag) =	ssettag $0x1  }
0x1: {  	s1 =	rddreg [dreg:$0x0]  }
0x2: {  	s6 =	rddreg [dreg:$0x1]  }
0x3: {  	s3 =	rddreg [dreg:$0x2]  }
0x4: {  	s0 =	rddreg [dreg:$0x3];
	s5 =	srdreg.scid  }
0x5: {  	s2 =	stileid.u32;
	s4 =	simm.s32 $0x0;
	s17 =	simm.s32 $0x4000  }
0x6: {  	s18 =	simm.s32 $0x1;
	s19 =	simm.s32 $0x6800;
	s20 =	simm.s32 $0x2  }
0x7: {  	s21 =	simm.s32 $0x1F80;
	s22 =	simm.s32 $0x3F00;
	s23 =	simm.s32 $0x3F80  }
0x8: {  	s24 =	simm.s32 $0x0;
	s7 =	sand.u32 $0x1, s5;
	s8 =	smul.u32 $0x2800, s2  }
0x9: {  	[smem:$0x7FF] =	sst s4;
	s10 =	sadd.s32 $0x3400, s6;
	s11 =	sadd.s32 $0x13400, s6  }
0xa: {  	s5 =	sadd.s32 $0x4BE00, s6;
	s29 =	smul.u32 $0x50000, s2;
	s30 =	sshll.u32 s2, $0xC  }
0xb: {  	s31 =	sshll.u32 s2, $0x6;
	s9 =	smul.u32 $0x28000, s7;
	s26 =	ssub.s32 $0x2, s7  }
0xc: {  	_ =	strace $0x8000004A;
	s7 =	sshll.u32 s7, $0xB;
	s28 =	sshrl.u32 s26, $0x1  }
0xd: {  	s14 =	sor.u32 s7, s30;
	s8 =	sadd.s32 s8, s9;
	s13 =	ssub.s32 s26, s28  }
0xe: {  	s16 =	sor.u32 $0x400, s14;
	s7 =	sadd.s32 s10, s14;
	s12 =	sadd.s32 s8, s6  }
0xf: {  	s8 =	sshrl.u32 s29, $0x2;
	s6 =	sor.u32 $0x1C03, s31;
	s9 =	sadd.s32 s10, s16  }
0x10: {  	s10 =	sadd.s32 s11, s16;
	s16 =	simm.s32 $0x50;
	s15 =	sadd.s32 s8, s3  }
0x11: {  	s8 =	sadd.s32 s11, s14;
	s11 =	sadd.s32 $0x7F200, s12;
	s12 =	smax.u32 s13, $0x1  }
0x12: {  	s14 =	simm.s32 $0x3;
	s13 =	sshrl.u32 s15, $0x3;
	s15 =	simm.s32 $0x2000  }
.LBB2_1:
0x13: {  	[spmem:s13], [sflag:s6] =	dma.local [hbm:s5], $0x2800  }
0x14: {  	_ =	swait.ge [sflag:s14], $0x2800  }
0x15: {  	[sflag:s14] =	ssyncset.done $0x0  }
0x16: {  	[sflag:s14] =	ssyncadd.s32 $0xFFFFD800  }
0x17: {  	[bflag:$0x0] =	sbarrier.arrive $0xFFFF  }
0x18: {  	[tilespmem:s4], [sflag:$0x3] =	stream.linear.gather [hbm4b:s7+s4], $0x2000, $0x38;
	[tilespmem:$0x1D000] =	vst v63  }
0x19: {  	_ =	swait.ge [sflag:s14], $0x2000  }
0x1a: {  	[sflag:s14] =	ssyncset.done $0x0  }
0x1b: {  	[sflag:s14] =	ssyncadd.s32 $0xFFFFE000  }
0x1c: {  	[tilespmem:s15], [sflag:$0x3] =	stream.linear.gather [hbm4b:s8+s4], $0x2000, $0x38;
	[tilespmem:$0x1D000] =	vst v63  }
0x1d: {  	_ =	swait.ge [sflag:s14], $0x2000  }
0x1e: {  	[sflag:s14] =	ssyncset.done $0x0  }
0x1f: {  	[sflag:s14] =	ssyncadd.s32 $0xFFFFE000  }
0x20: {  	[tilespmem:s17], [sflag:$0x1] =	stream.indirect.gather [hbm4b:s1+s16], $0x80, s4, s16, $0xb8;
	[tilespmem:$0x1D000] =	vst v63  }
0x21: {  	_ =	swait.ge [sflag:s18], $0x2800  }
0x22: {  	[sflag:s18] =	ssyncset.done $0x0  }
0x23: {  	s25 =	simm.s32 $0x80;
	[sflag:s18] =	ssyncadd.s32 $0xFFFFD800  }
0x24: {  	[tilespmem:s19], [sflag:$0x2] =	stream.indirect.gather [hbm4b:s1+s16], $0x80, s25, s16, $0xb8;
	[tilespmem:$0x1D000] =	vst v63  }
0x25: {  	s29 =	simm.s32 $0x2000  }
0x26: {  	[spmem:s3] =	stream.indirect.scatter.add.f32 [tilespmem:s17], [sflag:$0x3], $0x80, s29, s16, $0xb8;
	[tilespmem:$0x1D000] =	vst v63  }
0x27: {  	_ =	swait.ge [sflag:s14], $0x2800  }
0x28: {  	[sflag:s14] =	ssyncset.done $0x0  }
0x29: {  	[sflag:s14] =	ssyncadd.s32 $0xFFFFD800  }
0x2a: {  	_ =	swait.ge [sflag:s20], $0x2800  }
0x2b: {  	[sflag:s20] =	ssyncset.done $0x0  }
0x2c: {  	s30 =	simm.s32 $0x100;
	[sflag:s20] =	ssyncadd.s32 $0xFFFFD800  }
0x2d: {  	[tilespmem:s17], [sflag:$0x1] =	stream.indirect.gather [hbm4b:s1+s16], $0x80, s30, s16, $0xb8;
	[tilespmem:$0x1D000] =	vst v63  }
0x2e: {  	s31 =	simm.s32 $0x2080  }
0x2f: {  	[spmem:s3] =	stream.indirect.scatter.add.f32 [tilespmem:s19], [sflag:$0x3], $0x80, s31, s16, $0xb8;
	[tilespmem:$0x1D000] =	vst v63  }
0x30: {  	_ =	swait.ge [sflag:s14], $0x2800  }
0x31: {  	s25 =	simm.s32 $0x400;
	[sflag:s14] =	ssyncset.done $0x0  }
.LBB2_2:
0x32: {  	p0 =	sne.s32 s25, $0x7800  }
0x33: {  	[sflag:s14] =	ssyncadd.s32 $0xFFFFD800;
	s26 =	smov.u32 s25;
	s25 =	sadd.s32 $0x400, s25  }
0x34: {  	_ = 	snop  }
0x35: {  	_ =	swait.ge [sflag:s18], $0x2800  }
0x36: {  	s26 =	sshra.s32 s26, $0x2;
	[sflag:s18] =	ssyncset.done $0x0  }
0x37: {  	s28 =	sadd.s32 $0x80, s26;
	[sflag:s18] =	ssyncadd.s32 $0xFFFFD800  }
0x38: {  	[tilespmem:s19], [sflag:$0x2] =	stream.indirect.gather [hbm4b:s1+s16], $0x80, s28, s16, $0xb8;
	[tilespmem:$0x1D000] =	vst v63  }
0x39: {  	s28 =	sadd.s32 $0x2000, s26  }
0x3a: {  	[spmem:s3] =	stream.indirect.scatter.add.f32 [tilespmem:s17], [sflag:$0x3], $0x80, s28, s16, $0xb8;
	[tilespmem:$0x1D000] =	vst v63  }
0x3b: {  	_ =	swait.ge [sflag:s14], $0x2800  }
0x3c: {  	[sflag:s14] =	ssyncset.done $0x0  }
0x3d: {  	[sflag:s14] =	ssyncadd.s32 $0xFFFFD800  }
0x3e: {  	_ =	swait.ge [sflag:s20], $0x2800  }
0x3f: {  	[sflag:s20] =	ssyncset.done $0x0  }
0x40: {  	s28 =	sadd.s32 $0x100, s26;
	[sflag:s20] =	ssyncadd.s32 $0xFFFFD800  }
0x41: {  	[tilespmem:s17], [sflag:$0x1] =	stream.indirect.gather [hbm4b:s1+s16], $0x80, s28, s16, $0xb8;
	[tilespmem:$0x1D000] =	vst v63  }
.Ltmp0:
0x42: {  	_ = 	snop;
	(pc) =	sbr.rel @p0 .LBB2_2-.Ltmp0, $4  }
0x43: {  	s26 =	sadd.s32 $0x2080, s26  }
0x44: {  	[spmem:s3] =	stream.indirect.scatter.add.f32 [tilespmem:s19], [sflag:$0x3], $0x80, s26, s16, $0xb8;
	[tilespmem:$0x1D000] =	vst v63  }
0x45: {  	_ =	swait.ge [sflag:s14], $0x2800  }
0x46: {  	[sflag:s14] =	ssyncset.done $0x0  }
0x47: {  	[sflag:s14] =	ssyncadd.s32 $0xFFFFD800  }
0x48: {  	_ =	swait.ge [sflag:s18], $0x2800  }
0x49: {  	[sflag:s18] =	ssyncset.done $0x0  }
0x4a: {  	[sflag:s18] =	ssyncadd.s32 $0xFFFFD800  }
0x4b: {  	[tilespmem:s19], [sflag:$0x2] =	stream.indirect.gather [hbm4b:s1+s16], $0x80, s21, s16, $0xb8;
	[tilespmem:$0x1D000] =	vst v63  }
0x4c: {  	_ = 	snop  }
0x4d: {  	[spmem:s3] =	stream.indirect.scatter.add.f32 [tilespmem:s17], [sflag:$0x3], $0x80, s22, s16, $0xb8;
	[tilespmem:$0x1D000] =	vst v63  }
0x4e: {  	_ =	swait.ge [sflag:s14], $0x2800  }
0x4f: {  	[sflag:s14] =	ssyncset.done $0x0  }
0x50: {  	[sflag:s14] =	ssyncadd.s32 $0xFFFFD800  }
0x51: {  	_ =	swait.ge [sflag:s20], $0x2800  }
0x52: {  	[sflag:s20] =	ssyncset.done $0x0  }
0x53: {  	[sflag:s20] =	ssyncadd.s32 $0xFFFFD800  }
0x54: {  	[spmem:s3] =	stream.indirect.scatter.add.f32 [tilespmem:s19], [sflag:$0x3], $0x80, s23, s16, $0xb8;
	[tilespmem:$0x1D000] =	vst v63  }
0x55: {  	_ =	swait.ge [sflag:s14], $0x2800  }
0x56: {  	[sflag:s14] =	ssyncset.done $0x0  }
0x57: {  	s25 =	simm.s32 $0x0;
	[sflag:s14] =	ssyncadd.s32 $0xFFFFD800  }
0x58: {  	[tilespmem:s25], [sflag:$0x3] =	stream.linear.gather [hbm4b:s9+s25], $0x2000, $0x38;
	[tilespmem:$0x1D000] =	vst v63  }
0x59: {  	_ =	swait.ge [sflag:s14], $0x2000  }
0x5a: {  	[sflag:s14] =	ssyncset.done $0x0  }
0x5b: {  	[sflag:s14] =	ssyncadd.s32 $0xFFFFE000  }
0x5c: {  	[tilespmem:s15], [sflag:$0x3] =	stream.linear.gather [hbm4b:s10+s25], $0x2000, $0x38;
	[tilespmem:$0x1D000] =	vst v63  }
0x5d: {  	_ =	swait.ge [sflag:s14], $0x2000  }
0x5e: {  	[sflag:s14] =	ssyncset.done $0x0  }
0x5f: {  	[sflag:s14] =	ssyncadd.s32 $0xFFFFE000  }
0x60: {  	[tilespmem:s17], [sflag:$0x1] =	stream.indirect.gather [hbm4b:s1+s16], $0x80, s25, s16, $0xb8;
	[tilespmem:$0x1D000] =	vst v63  }
0x61: {  	_ =	swait.ge [sflag:s18], $0x2800  }
0x62: {  	[sflag:s18] =	ssyncset.done $0x0  }
0x63: {  	s28 =	simm.s32 $0x80;
	[sflag:s18] =	ssyncadd.s32 $0xFFFFD800  }
0x64: {  	[tilespmem:s19], [sflag:$0x2] =	stream.indirect.gather [hbm4b:s1+s16], $0x80, s28, s16, $0xb8;
	[tilespmem:$0x1D000] =	vst v63  }
0x65: {  	s29 =	simm.s32 $0x2000  }
0x66: {  	[spmem:s3] =	stream.indirect.scatter.add.f32 [tilespmem:s17], [sflag:$0x3], $0x80, s29, s16, $0xb8;
	[tilespmem:$0x1D000] =	vst v63  }
0x67: {  	_ =	swait.ge [sflag:s14], $0x2800  }
0x68: {  	[sflag:s14] =	ssyncset.done $0x0  }
0x69: {  	[sflag:s14] =	ssyncadd.s32 $0xFFFFD800  }
0x6a: {  	_ =	swait.ge [sflag:s20], $0x2800  }
0x6b: {  	[sflag:s20] =	ssyncset.done $0x0  }
0x6c: {  	s30 =	simm.s32 $0x100;
	[sflag:s20] =	ssyncadd.s32 $0xFFFFD800  }
0x6d: {  	[tilespmem:s17], [sflag:$0x1] =	stream.indirect.gather [hbm4b:s1+s16], $0x80, s30, s16, $0xb8;
	[tilespmem:$0x1D000] =	vst v63  }
0x6e: {  	s31 =	simm.s32 $0x2080  }
0x6f: {  	[spmem:s3] =	stream.indirect.scatter.add.f32 [tilespmem:s19], [sflag:$0x3], $0x80, s31, s16, $0xb8;
	[tilespmem:$0x1D000] =	vst v63  }
0x70: {  	_ =	swait.ge [sflag:s14], $0x2800  }
0x71: {  	s25 =	simm.s32 $0x400;
	[sflag:s14] =	ssyncset.done $0x0  }
.LBB2_4:
0x72: {  	p0 =	sne.s32 s25, $0x7800  }
0x73: {  	[sflag:s14] =	ssyncadd.s32 $0xFFFFD800;
	s26 =	smov.u32 s25;
	s25 =	sadd.s32 $0x400, s25  }
0x74: {  	_ = 	snop  }
0x75: {  	_ =	swait.ge [sflag:s18], $0x2800  }
0x76: {  	s26 =	sshra.s32 s26, $0x2;
	[sflag:s18] =	ssyncset.done $0x0  }
0x77: {  	s28 =	sadd.s32 $0x80, s26;
	[sflag:s18] =	ssyncadd.s32 $0xFFFFD800  }
0x78: {  	[tilespmem:s19], [sflag:$0x2] =	stream.indirect.gather [hbm4b:s1+s16], $0x80, s28, s16, $0xb8;
	[tilespmem:$0x1D000] =	vst v63  }
0x79: {  	s28 =	sadd.s32 $0x2000, s26  }
0x7a: {  	[spmem:s3] =	stream.indirect.scatter.add.f32 [tilespmem:s17], [sflag:$0x3], $0x80, s28, s16, $0xb8;
	[tilespmem:$0x1D000] =	vst v63  }
0x7b: {  	_ =	swait.ge [sflag:s14], $0x2800  }
0x7c: {  	[sflag:s14] =	ssyncset.done $0x0  }
0x7d: {  	[sflag:s14] =	ssyncadd.s32 $0xFFFFD800  }
0x7e: {  	_ =	swait.ge [sflag:s20], $0x2800  }
0x7f: {  	[sflag:s20] =	ssyncset.done $0x0  }
0x80: {  	s28 =	sadd.s32 $0x100, s26;
	[sflag:s20] =	ssyncadd.s32 $0xFFFFD800  }
0x81: {  	[tilespmem:s17], [sflag:$0x1] =	stream.indirect.gather [hbm4b:s1+s16], $0x80, s28, s16, $0xb8;
	[tilespmem:$0x1D000] =	vst v63  }
.Ltmp1:
0x82: {  	_ = 	snop;
	(pc) =	sbr.rel @p0 .LBB2_4-.Ltmp1, $4  }
0x83: {  	s26 =	sadd.s32 $0x2080, s26  }
0x84: {  	[spmem:s3] =	stream.indirect.scatter.add.f32 [tilespmem:s19], [sflag:$0x3], $0x80, s26, s16, $0xb8;
	[tilespmem:$0x1D000] =	vst v63  }
0x85: {  	_ =	swait.ge [sflag:s14], $0x2800  }
0x86: {  	[sflag:s14] =	ssyncset.done $0x0  }
0x87: {  	[sflag:s14] =	ssyncadd.s32 $0xFFFFD800  }
0x88: {  	_ =	swait.ge [sflag:s18], $0x2800  }
0x89: {  	[sflag:s18] =	ssyncset.done $0x0  }
0x8a: {  	[sflag:s18] =	ssyncadd.s32 $0xFFFFD800  }
0x8b: {  	[tilespmem:s19], [sflag:$0x2] =	stream.indirect.gather [hbm4b:s1+s16], $0x80, s21, s16, $0xb8;
	[tilespmem:$0x1D000] =	vst v63  }
0x8c: {  	_ = 	snop  }
0x8d: {  	[spmem:s3] =	stream.indirect.scatter.add.f32 [tilespmem:s17], [sflag:$0x3], $0x80, s22, s16, $0xb8;
	[tilespmem:$0x1D000] =	vst v63  }
0x8e: {  	_ =	swait.ge [sflag:s14], $0x2800  }
0x8f: {  	[sflag:s14] =	ssyncset.done $0x0  }
0x90: {  	[sflag:s14] =	ssyncadd.s32 $0xFFFFD800  }
0x91: {  	_ =	swait.ge [sflag:s20], $0x2800  }
0x92: {  	[sflag:s20] =	ssyncset.done $0x0  }
0x93: {  	[sflag:s20] =	ssyncadd.s32 $0xFFFFD800  }
0x94: {  	[spmem:s3] =	stream.indirect.scatter.add.f32 [tilespmem:s19], [sflag:$0x3], $0x80, s23, s16, $0xb8;
	[tilespmem:$0x1D000] =	vst v63  }
0x95: {  	_ =	swait.ge [sflag:s14], $0x2800  }
0x96: {  	s24 =	sadd.s32 $0x1, s24;
	[sflag:s14] =	ssyncset.done $0x0  }
0x97: {  	p0 =	sne.s32 s24, s12;
	[sflag:s14] =	ssyncadd.s32 $0xFFFFD800  }
.Ltmp2:
0x98: {  	[bflag:$0x0] =	sbarrier.arrive $0xFFFF;
	(pc) =	sbr.rel @p0 .LBB2_1-.Ltmp2, $4  }
0x99: {  	[hbm:s11], [sflag:s6] =	dma.local [spmem:s13], $0x2800  }
0x9a: {  	_ =	swait.ge [sflag:s14], $0x2800  }
0x9b: {  	[sflag:s14] =	ssyncset.done $0x0  }
0x9c: {  	[sflag:s14] =	ssyncadd.s32 $0xFFFFD800  }
0x9d: {  	_ =	sfence.sel $0x180000  }
0x9e: {  	[bflag:$0x0] =	sbarrier.arrive $0xFFFF  }
0x9f: {  	p0 =	sne.s32 s2, $0x0;
	_ =	strace $0x9000004A  }
0xa0: {  	s0 =	sadd.s32 @!p0 $0x100000, s0;
	[bflag:$0x2] =	sbarrier.arrive $0xFFFF  }
0xa1: {  	[sflag:s0] =	ssyncadd.tile.s32 @!p0 $0x1;
	_ =	shalt  }
.Lfunc_end2:
_tile_overlayer_lowered:
.L_overlay_start_2:
0xa2: {  	(tag) =	ssettag $0x2  }
0xa3: {  	s0 =	rddreg [dreg:$0x0];
	s2 =	stileid.u32  }
0xa4: {  	s1 =	rddreg [dreg:$0x1];
	p0 =	sne.s32 s2, $0x0  }
0xa5: {  	s3 =	rddreg [dreg:$0x2];
	[bflag:$0x3] =	sbarrier.arrive $0xFFFF;
	s2 =	simm.s32 @!p0 $0x1C03  }
0xa6: {  	[timem:s3], [sflag:s2] =	dma.local @!p0 [hbm:s0], s1  }
0xa7: {  	s0 =	simm.s32 @!p0 $0x3  }
0xa8: {  	_ =	swait.ge @!p0 [sflag:s0], s1  }
0xa9: {  	s1 =	ssub.s32 @!p0 $0x0, s1;
	[sflag:s0] =	ssyncset.done @!p0 $0x0  }
0xaa: {  	[sflag:s0] =	ssyncadd.s32 @!p0 s1  }
0xab: {  	[bflag:$0x3] =	sbarrier.arrive $0xFFFF  }
0xac: {  	_ =	shalt  }

</sc_bundles>
